<compile_context>
chip_gen: v7x
topology: tpu7x:2x2x1
jax: 0.10.2.dev20260603
libtpu: 0.0.44.dev20260713+nightly
codegen_flags: <defaults>
</compile_context>

<pallas_src>
import functools

import jax
import jax.numpy as jnp
from jax import lax
from jax.experimental import pallas as pl
from jax.experimental.pallas import tpu as pltpu
from jax.experimental.pallas import tpu_sc as plsc

_NC = 2
_NS = 16
_NW = _NC * _NS


def _gather_fn(N, D, C, NBUF, TAIL):
    b_per_w = N // _NW
    sizes = [C] * (b_per_w // C - 1) + [TAIL] * (C // TAIL)
    offs = [sum(sizes[:i]) for i in range(len(sizes))]
    n_chunks = len(sizes)
    mesh = plsc.VectorSubcoreMesh(core_axis_name="c", subcore_axis_name="s")

    @functools.partial(
        pl.kernel,
        mesh=mesh,
        out_type=jax.ShapeDtypeStruct((N, D), jnp.float32),
        scratch_types=[
            pltpu.VMEM((b_per_w,), jnp.int32),
            pltpu.VMEM((NBUF, C, D), jnp.float32),
        ]
        + [pltpu.SemaphoreType.DMA] * (2 * NBUF),
        compiler_params=pltpu.CompilerParams(use_tc_tiling_on_sc=False),
    )
    def k(table_hbm, idx_hbm, out_hbm, idx_v, rows_v, *sems):
        g_sems = sems[:NBUF]
        s_sems = sems[NBUF:]
        wid = lax.axis_index("s") * _NC + lax.axis_index("c")
        base = wid * b_per_w
        pltpu.sync_copy(idx_hbm.at[pl.ds(base, b_per_w)], idx_v)

        gathers = [None] * NBUF
        stores = [None] * NBUF
        for j in range(min(NBUF - 1, n_chunks)):
            gathers[j] = pltpu.async_copy(
                table_hbm.at[idx_v.at[pl.ds(offs[j], sizes[j])]],
                rows_v.at[j, pl.ds(0, sizes[j])],
                g_sems[j],
            )
        for i in range(n_chunks):
            b = i % NBUF
            pre = i + NBUF - 1
            if pre < n_chunks:
                pb = pre % NBUF
                if stores[pb] is not None:
                    stores[pb].wait()
                gathers[pb] = pltpu.async_copy(
                    table_hbm.at[idx_v.at[pl.ds(offs[pre], sizes[pre])]],
                    rows_v.at[pb, pl.ds(0, sizes[pre])],
                    g_sems[pb],
                )
            gathers[b].wait()
            stores[b] = pltpu.async_copy(
                rows_v.at[b, pl.ds(0, sizes[i])],
                out_hbm.at[pl.ds(base + offs[i], sizes[i])],
                s_sems[b],
            )
        for st in stores:
            if st is not None:
                st.wait()

    return k


def kernel(weight, words):
    B, H = words.shape
    V, D = weight.shape
    N = B * H
    flat = words.reshape(N).astype(jnp.int32)
    C = 1600
    NBUF = 2
    TAIL = 1600
    out = _gather_fn(N, D, C, NBUF, TAIL)(weight, flat)
    return out.reshape(B, H, D)

# --- scband reference (transcript-rebuilt; emitter-appended) ---
"""Pipeline reference for scband-embedding-lookup-32487132627510 (READ-ONLY COPY).

The authoritative reference and input builder live on the scoring server;
editing this copy changes nothing except your own understanding.
"""

import jax, jax.numpy as jnp
import numpy as np

VOCAB = 1000000
EMBED_DIM = 32
BATCH = 16384
HIST_LEN = 50

def setup_inputs(seed: int = 0) -> dict:
    key = jax.random.key(seed)
    k1, k2 = jax.random.split(key)
    weight = jax.random.normal(k1, (VOCAB, EMBED_DIM), dtype=jnp.float32)
    words = jax.random.randint(k2, (BATCH, HIST_LEN), 0, VOCAB, dtype=jnp.int64 if jax.config.read('jax_enable_x64') else jnp.int32)
    return {"weight": weight, "words": words}

def reference(weight, words):
    # EmbeddingLookup in eval mode (self.training=False): word-dropout mask is skipped,
    # so forward is a plain embedding gather: F.embedding(words, weight).
    # padding_idx=-1 (no padding row provided), max_norm=None -> pure gather.
    x = jnp.take(weight, words, axis=0)
    return x

if __name__ == "__main__":
    import jax
    _d = setup_inputs()
    print(jax.jit(kernel)(*tuple(_d.values())))

</pallas_src>

<mosaic_0001>
#map = affine_map<(d0, d1) -> (0, 0)>
#map1 = affine_map<(d0, d1) -> (0)>
module attributes {stable_mosaic.version = 14 : i64} {
  func.func @k(%arg0: i32, %arg1: i32, %arg2: memref<1000000x32xf32, #tpu.memory_space<hbm>>, %arg3: memref<819200xi32, #tpu.memory_space<hbm>>, %arg4: memref<819200x32xf32, #tpu.memory_space<hbm>>, %arg5: memref<25600xi32, #tpu.memory_space<vmem>>, %arg6: memref<2x1600x32xf32, #tpu.memory_space<vmem>>, %arg7: memref<!tpu.dma_semaphore, #tpu.memory_space<semaphore_mem>>, %arg8: memref<!tpu.dma_semaphore, #tpu.memory_space<semaphore_mem>>, %arg9: memref<!tpu.dma_semaphore, #tpu.memory_space<semaphore_mem>>, %arg10: memref<!tpu.dma_semaphore, #tpu.memory_space<semaphore_mem>>) attributes {dimension_semantics = [#tpu.dimension_semantics<core_parallel>, #tpu.dimension_semantics<subcore_parallel>], iteration_bounds = array<i64: 2, 16>, scalar_prefetch = 0 : i64, scratch_operands = 6 : i64, tpu.core_type = #tpu.core_type<sc_vector_subcore>, window_params = [{transform_indices = #map}, {transform_indices = #map1}, {transform_indices = #map}]} {
    %mul3A = arith.constant 2 : i32
    %mul3A_0 = arith.muli %arg1, %mul3A : i32
    %add3A = arith.addi %mul3A_0, %arg0 : i32
    %mul3A_1 = arith.constant 25600 : i32
    %mul3A_2 = arith.muli %add3A, %mul3A_1 : i32
    "tpu.region"() ({
      %run_scoped3A = tpu.sem_alloc : memref<!tpu.dma_semaphore, #tpu.memory_space<semaphore_mem>>
      %dma_start3A_769 = tpu.memref_slice %arg3[%mul3A_2] : memref<819200xi32, #tpu.memory_space<hbm>> -> memref<25600xi32, #tpu.memory_space<hbm>>
      %dma_start3A_770 = tpu.memref_slice %arg3[%mul3A_2] : memref<819200xi32, #tpu.memory_space<hbm>> -> memref<25600xi32, #tpu.memory_space<hbm>>
      tpu.enqueue_dma source(%dma_start3A_770 : memref<25600xi32, #tpu.memory_space<hbm>>) target(%arg5 : memref<25600xi32, #tpu.memory_space<vmem>>) target_semaphore(%run_scoped3A : memref<!tpu.dma_semaphore, #tpu.memory_space<semaphore_mem>>)
      %dma_wait3A_771 = tpu.memref_slice %arg3[%mul3A_2] : memref<819200xi32, #tpu.memory_space<hbm>> -> memref<25600xi32, #tpu.memory_space<hbm>>
      %dma_wait3A_772 = tpu.memref_slice %arg3[%mul3A_2] : memref<819200xi32, #tpu.memory_space<hbm>> -> memref<25600xi32, #tpu.memory_space<hbm>>
      tpu.wait_dma2 semaphore(%run_scoped3A : memref<!tpu.dma_semaphore, #tpu.memory_space<semaphore_mem>>) src(%dma_wait3A_772 : memref<25600xi32, #tpu.memory_space<hbm>>) dst(%arg5 : memref<25600xi32, #tpu.memory_space<vmem>>)
      tpu.yield
    }) : () -> ()
    %dma_start3A = arith.constant 0 : i32
    %dma_start3A_3 = arith.constant 0 : i32
    %dma_start3A_4 = arith.constant 0 : i32
    %dma_start3A_5 = tpu.memref_slice %arg6[%dma_start3A, %dma_start3A_3, %dma_start3A_4] : memref<2x1600x32xf32, #tpu.memory_space<vmem>> -> memref<1x1600x32xf32, #tpu.memory_space<vmem>>
    %dma_start3A_6 = tpu.memref_squeeze %dma_start3A_5 : memref<1x1600x32xf32, #tpu.memory_space<vmem>> -> memref<1600x32xf32, #tpu.memory_space<vmem>>
    %dma_start3A_7 = arith.constant 0 : i32
    %dma_start3A_8 = tpu.memref_slice %arg5[%dma_start3A_7] : memref<25600xi32, #tpu.memory_space<vmem>> -> memref<1600xi32, #tpu.memory_space<vmem>>
    %dma_start3A_9 = arith.constant 0 : i32
    %dma_start3A_10 = arith.constant 0 : i32
    %dma_start3A_11 = tpu.memref_slice %arg2[%dma_start3A_9, %dma_start3A_10] : memref<1000000x32xf32, #tpu.memory_space<hbm>> -> memref<1000000x32xf32, #tpu.memory_space<hbm>>
    tpu.enqueue_indirect_dma source(%dma_start3A_11 : memref<1000000x32xf32, #tpu.memory_space<hbm>>) target(%dma_start3A_6 : memref<1600x32xf32, #tpu.memory_space<vmem>>) offsets(%dma_start3A_8 : memref<1600xi32, #tpu.memory_space<vmem>>) semaphore(%arg7 : memref<!tpu.dma_semaphore, #tpu.memory_space<semaphore_mem>>)
    %dma_start3A_12 = arith.constant 1 : i32
    %dma_start3A_13 = arith.constant 0 : i32
    %dma_start3A_14 = arith.constant 0 : i32
    %dma_start3A_15 = tpu.memref_slice %arg6[%dma_start3A_12, %dma_start3A_13, %dma_start3A_14] : memref<2x1600x32xf32, #tpu.memory_space<vmem>> -> memref<1x1600x32xf32, #tpu.memory_space<vmem>>
    %dma_start3A_16 = tpu.memref_squeeze %dma_start3A_15 : memref<1x1600x32xf32, #tpu.memory_space<vmem>> -> memref<1600x32xf32, #tpu.memory_space<vmem>>
    %dma_start3A_17 = arith.constant 1600 : i32
    %dma_start3A_18 = tpu.memref_slice %arg5[%dma_start3A_17] : memref<25600xi32, #tpu.memory_space<vmem>> -> memref<1600xi32, #tpu.memory_space<vmem>>
    %dma_start3A_19 = arith.constant 0 : i32
    %dma_start3A_20 = arith.constant 0 : i32
    %dma_start3A_21 = tpu.memref_slice %arg2[%dma_start3A_19, %dma_start3A_20] : memref<1000000x32xf32, #tpu.memory_space<hbm>> -> memref<1000000x32xf32, #tpu.memory_space<hbm>>
    tpu.enqueue_indirect_dma source(%dma_start3A_21 : memref<1000000x32xf32, #tpu.memory_space<hbm>>) target(%dma_start3A_16 : memref<1600x32xf32, #tpu.memory_space<vmem>>) offsets(%dma_start3A_18 : memref<1600xi32, #tpu.memory_space<vmem>>) semaphore(%arg8 : memref<!tpu.dma_semaphore, #tpu.memory_space<semaphore_mem>>)
    %dma_wait3A = arith.constant 0 : i32
    %dma_wait3A_22 = arith.constant 0 : i32
    %dma_wait3A_23 = arith.constant 0 : i32
    %dma_wait3A_24 = tpu.memref_slice %arg6[%dma_wait3A, %dma_wait3A_22, %dma_wait3A_23] : memref<2x1600x32xf32, #tpu.memory_space<vmem>> -> memref<1x1600x32xf32, #tpu.memory_space<vmem>>
    %dma_wait3A_25 = tpu.memref_squeeze %dma_wait3A_24 : memref<1x1600x32xf32, #tpu.memory_space<vmem>> -> memref<1600x32xf32, #tpu.memory_space<vmem>>
    %dma_wait3A_26 = arith.constant 0 : i32
    %dma_wait3A_27 = tpu.memref_slice %arg5[%dma_wait3A_26] : memref<25600xi32, #tpu.memory_space<vmem>> -> memref<1600xi32, #tpu.memory_space<vmem>>
    %dma_wait3A_28 = arith.constant 0 : i32
    %dma_wait3A_29 = arith.constant 0 : i32
    %dma_wait3A_30 = tpu.memref_slice %arg2[%dma_wait3A_28, %dma_wait3A_29] : memref<1000000x32xf32, #tpu.memory_space<hbm>> -> memref<1000000x32xf32, #tpu.memory_space<hbm>>
    tpu.wait_indirect_dma semaphore(%arg7 : memref<!tpu.dma_semaphore, #tpu.memory_space<semaphore_mem>>) src(%dma_wait3A_30 : memref<1000000x32xf32, #tpu.memory_space<hbm>>) dst(%dma_wait3A_25 : memref<1600x32xf32, #tpu.memory_space<vmem>>)
    %add3A_31 = arith.constant 0 : i32
    %add3A_32 = arith.addi %mul3A_2, %add3A_31 : i32
    %dma_start3A_33 = arith.constant 0 : i32
    %dma_start3A_34 = arith.constant 0 : i32
    %dma_start3A_35 = arith.constant 0 : i32
    %dma_start3A_36 = tpu.memref_slice %arg6[%dma_start3A_33, %dma_start3A_34, %dma_start3A_35] : memref<2x1600x32xf32, #tpu.memory_space<vmem>> -> memref<1x1600x32xf32, #tpu.memory_space<vmem>>
    %dma_start3A_37 = tpu.memref_squeeze %dma_start3A_36 : memref<1x1600x32xf32, #tpu.memory_space<vmem>> -> memref<1600x32xf32, #tpu.memory_space<vmem>>
    %dma_start3A_38 = arith.constant 0 : i32
    %dma_start3A_39 = tpu.memref_slice %arg4[%add3A_32, %dma_start3A_38] : memref<819200x32xf32, #tpu.memory_space<hbm>> -> memref<1600x32xf32, #tpu.memory_space<hbm>>
    %dma_start3A_40 = arith.constant 0 : i32
    %dma_start3A_41 = tpu.memref_slice %arg4[%add3A_32, %dma_start3A_40] : memref<819200x32xf32, #tpu.memory_space<hbm>> -> memref<1600x32xf32, #tpu.memory_space<hbm>>
    %dma_start3A_42 = arith.constant 0 : i32
    %dma_start3A_43 = arith.constant 0 : i32
    %dma_start3A_44 = tpu.memref_slice %arg6[%dma_start3A_33, %dma_start3A_42, %dma_start3A_43] : memref<2x1600x32xf32, #tpu.memory_space<vmem>> -> memref<1x1600x32xf32, #tpu.memory_space<vmem>>
    %dma_start3A_45 = tpu.memref_squeeze %dma_start3A_44 : memref<1x1600x32xf32, #tpu.memory_space<vmem>> -> memref<1600x32xf32, #tpu.memory_space<vmem>>
    tpu.enqueue_dma source(%dma_start3A_45 : memref<1600x32xf32, #tpu.memory_space<vmem>>) target(%dma_start3A_41 : memref<1600x32xf32, #tpu.memory_space<hbm>>) target_semaphore(%arg9 : memref<!tpu.dma_semaphore, #tpu.memory_space<semaphore_mem>>)
    %dma_wait3A_46 = arith.constant 0 : i32
    %dma_wait3A_47 = arith.constant 0 : i32
    %dma_wait3A_48 = arith.constant 0 : i32
    %dma_wait3A_49 = tpu.memref_slice %arg6[%dma_wait3A_46, %dma_wait3A_47, %dma_wait3A_48] : memref<2x1600x32xf32, #tpu.memory_space<vmem>> -> memref<1x1600x32xf32, #tpu.memory_space<vmem>>
    %dma_wait3A_50 = tpu.memref_squeeze %dma_wait3A_49 : memref<1x1600x32xf32, #tpu.memory_space<vmem>> -> memref<1600x32xf32, #tpu.memory_space<vmem>>
    %dma_wait3A_51 = arith.constant 0 : i32
    %dma_wait3A_52 = tpu.memref_slice %arg4[%add3A_32, %dma_wait3A_51] : memref<819200x32xf32, #tpu.memory_space<hbm>> -> memref<1600x32xf32, #tpu.memory_space<hbm>>
    %dma_wait3A_53 = arith.constant 0 : i32
    %dma_wait3A_54 = tpu.memref_slice %arg4[%add3A_32, %dma_wait3A_53] : memref<819200x32xf32, #tpu.memory_space<hbm>> -> memref<1600x32xf32, #tpu.memory_space<hbm>>
    %dma_wait3A_55 = arith.constant 0 : i32
    %dma_wait3A_56 = arith.constant 0 : i32
    %dma_wait3A_57 = tpu.memref_slice %arg6[%dma_wait3A_46, %dma_wait3A_55, %dma_wait3A_56] : memref<2x1600x32xf32, #tpu.memory_space<vmem>> -> memref<1x1600x32xf32, #tpu.memory_space<vmem>>
    %dma_wait3A_58 = tpu.memref_squeeze %dma_wait3A_57 : memref<1x1600x32xf32, #tpu.memory_space<vmem>> -> memref<1600x32xf32, #tpu.memory_space<vmem>>
    tpu.wait_dma2 semaphore(%arg9 : memref<!tpu.dma_semaphore, #tpu.memory_space<semaphore_mem>>) src(%dma_wait3A_58 : memref<1600x32xf32, #tpu.memory_space<vmem>>) dst(%dma_wait3A_54 : memref<1600x32xf32, #tpu.memory_space<hbm>>)
    %dma_start3A_59 = arith.constant 0 : i32
    %dma_start3A_60 = arith.constant 0 : i32
    %dma_start3A_61 = arith.constant 0 : i32
    %dma_start3A_62 = tpu.memref_slice %arg6[%dma_start3A_59, %dma_start3A_60, %dma_start3A_61] : memref<2x1600x32xf32, #tpu.memory_space<vmem>> -> memref<1x1600x32xf32, #tpu.memory_space<vmem>>
    %dma_start3A_63 = tpu.memref_squeeze %dma_start3A_62 : memref<1x1600x32xf32, #tpu.memory_space<vmem>> -> memref<1600x32xf32, #tpu.memory_space<vmem>>
    %dma_start3A_64 = arith.constant 3200 : i32
    %dma_start3A_65 = tpu.memref_slice %arg5[%dma_start3A_64] : memref<25600xi32, #tpu.memory_space<vmem>> -> memref<1600xi32, #tpu.memory_space<vmem>>
    %dma_start3A_66 = arith.constant 0 : i32
    %dma_start3A_67 = arith.constant 0 : i32
    %dma_start3A_68 = tpu.memref_slice %arg2[%dma_start3A_66, %dma_start3A_67] : memref<1000000x32xf32, #tpu.memory_space<hbm>> -> memref<1000000x32xf32, #tpu.memory_space<hbm>>
    tpu.enqueue_indirect_dma source(%dma_start3A_68 : memref<1000000x32xf32, #tpu.memory_space<hbm>>) target(%dma_start3A_63 : memref<1600x32xf32, #tpu.memory_space<vmem>>) offsets(%dma_start3A_65 : memref<1600xi32, #tpu.memory_space<vmem>>) semaphore(%arg7 : memref<!tpu.dma_semaphore, #tpu.memory_space<semaphore_mem>>)
    %dma_wait3A_69 = arith.constant 1 : i32
    %dma_wait3A_70 = arith.constant 0 : i32
    %dma_wait3A_71 = arith.constant 0 : i32
    %dma_wait3A_72 = tpu.memref_slice %arg6[%dma_wait3A_69, %dma_wait3A_70, %dma_wait3A_71] : memref<2x1600x32xf32, #tpu.memory_space<vmem>> -> memref<1x1600x32xf32, #tpu.memory_space<vmem>>
    %dma_wait3A_73 = tpu.memref_squeeze %dma_wait3A_72 : memref<1x1600x32xf32, #tpu.memory_space<vmem>> -> memref<1600x32xf32, #tpu.memory_space<vmem>>
    %dma_wait3A_74 = arith.constant 1600 : i32
    %dma_wait3A_75 = tpu.memref_slice %arg5[%dma_wait3A_74] : memref<25600xi32, #tpu.memory_space<vmem>> -> memref<1600xi32, #tpu.memory_space<vmem>>
    %dma_wait3A_76 = arith.constant 0 : i32
    %dma_wait3A_77 = arith.constant 0 : i32
    %dma_wait3A_78 = tpu.memref_slice %arg2[%dma_wait3A_76, %dma_wait3A_77] : memref<1000000x32xf32, #tpu.memory_space<hbm>> -> memref<1000000x32xf32, #tpu.memory_space<hbm>>
    tpu.wait_indirect_dma semaphore(%arg8 : memref<!tpu.dma_semaphore, #tpu.memory_space<semaphore_mem>>) src(%dma_wait3A_78 : memref<1000000x32xf32, #tpu.memory_space<hbm>>) dst(%dma_wait3A_73 : memref<1600x32xf32, #tpu.memory_space<vmem>>)
    %add3A_79 = arith.constant 1600 : i32
    %add3A_80 = arith.addi %mul3A_2, %add3A_79 : i32
    %dma_start3A_81 = arith.constant 1 : i32
    %dma_start3A_82 = arith.constant 0 : i32
    %dma_start3A_83 = arith.constant 0 : i32
    %dma_start3A_84 = tpu.memref_slice %arg6[%dma_start3A_81, %dma_start3A_82, %dma_start3A_83] : memref<2x1600x32xf32, #tpu.memory_space<vmem>> -> memref<1x1600x32xf32, #tpu.memory_space<vmem>>
    %dma_start3A_85 = tpu.memref_squeeze %dma_start3A_84 : memref<1x1600x32xf32, #tpu.memory_space<vmem>> -> memref<1600x32xf32, #tpu.memory_space<vmem>>
    %dma_start3A_86 = arith.constant 0 : i32
    %dma_start3A_87 = tpu.memref_slice %arg4[%add3A_80, %dma_start3A_86] : memref<819200x32xf32, #tpu.memory_space<hbm>> -> memref<1600x32xf32, #tpu.memory_space<hbm>>
    %dma_start3A_88 = arith.constant 0 : i32
    %dma_start3A_89 = tpu.memref_slice %arg4[%add3A_80, %dma_start3A_88] : memref<819200x32xf32, #tpu.memory_space<hbm>> -> memref<1600x32xf32, #tpu.memory_space<hbm>>
    %dma_start3A_90 = arith.constant 0 : i32
    %dma_start3A_91 = arith.constant 0 : i32
    %dma_start3A_92 = tpu.memref_slice %arg6[%dma_start3A_81, %dma_start3A_90, %dma_start3A_91] : memref<2x1600x32xf32, #tpu.memory_space<vmem>> -> memref<1x1600x32xf32, #tpu.memory_space<vmem>>
    %dma_start3A_93 = tpu.memref_squeeze %dma_start3A_92 : memref<1x1600x32xf32, #tpu.memory_space<vmem>> -> memref<1600x32xf32, #tpu.memory_space<vmem>>
    tpu.enqueue_dma source(%dma_start3A_93 : memref<1600x32xf32, #tpu.memory_space<vmem>>) target(%dma_start3A_89 : memref<1600x32xf32, #tpu.memory_space<hbm>>) target_semaphore(%arg10 : memref<!tpu.dma_semaphore, #tpu.memory_space<semaphore_mem>>)
    %dma_wait3A_94 = arith.constant 1 : i32
    %dma_wait3A_95 = arith.constant 0 : i32
    %dma_wait3A_96 = arith.constant 0 : i32
    %dma_wait3A_97 = tpu.memref_slice %arg6[%dma_wait3A_94, %dma_wait3A_95, %dma_wait3A_96] : memref<2x1600x32xf32, #tpu.memory_space<vmem>> -> memref<1x1600x32xf32, #tpu.memory_space<vmem>>
    %dma_wait3A_98 = tpu.memref_squeeze %dma_wait3A_97 : memref<1x1600x32xf32, #tpu.memory_space<vmem>> -> memref<1600x32xf32, #tpu.memory_space<vmem>>
    %dma_wait3A_99 = arith.constant 0 : i32
    %dma_wait3A_100 = tpu.memref_slice %arg4[%add3A_80, %dma_wait3A_99] : memref<819200x32xf32, #tpu.memory_space<hbm>> -> memref<1600x32xf32, #tpu.memory_space<hbm>>
    %dma_wait3A_101 = arith.constant 0 : i32
    %dma_wait3A_102 = tpu.memref_slice %arg4[%add3A_80, %dma_wait3A_101] : memref<819200x32xf32, #tpu.memory_space<hbm>> -> memref<1600x32xf32, #tpu.memory_space<hbm>>
    %dma_wait3A_103 = arith.constant 0 : i32
    %dma_wait3A_104 = arith.constant 0 : i32
    %dma_wait3A_105 = tpu.memref_slice %arg6[%dma_wait3A_94, %dma_wait3A_103, %dma_wait3A_104] : memref<2x1600x32xf32, #tpu.memory_space<vmem>> -> memref<1x1600x32xf32, #tpu.memory_space<vmem>>
    %dma_wait3A_106 = tpu.memref_squeeze %dma_wait3A_105 : memref<1x1600x32xf32, #tpu.memory_space<vmem>> -> memref<1600x32xf32, #tpu.memory_space<vmem>>
    tpu.wait_dma2 semaphore(%arg10 : memref<!tpu.dma_semaphore, #tpu.memory_space<semaphore_mem>>) src(%dma_wait3A_106 : memref<1600x32xf32, #tpu.memory_space<vmem>>) dst(%dma_wait3A_102 : memref<1600x32xf32, #tpu.memory_space<hbm>>)
    %dma_start3A_107 = arith.constant 1 : i32
    %dma_start3A_108 = arith.constant 0 : i32
    %dma_start3A_109 = arith.constant 0 : i32
    %dma_start3A_110 = tpu.memref_slice %arg6[%dma_start3A_107, %dma_start3A_108, %dma_start3A_109] : memref<2x1600x32xf32, #tpu.memory_space<vmem>> -> memref<1x1600x32xf32, #tpu.memory_space<vmem>>
    %dma_start3A_111 = tpu.memref_squeeze %dma_start3A_110 : memref<1x1600x32xf32, #tpu.memory_space<vmem>> -> memref<1600x32xf32, #tpu.memory_space<vmem>>
    %dma_start3A_112 = arith.constant 4800 : i32
    %dma_start3A_113 = tpu.memref_slice %arg5[%dma_start3A_112] : memref<25600xi32, #tpu.memory_space<vmem>> -> memref<1600xi32, #tpu.memory_space<vmem>>
    %dma_start3A_114 = arith.constant 0 : i32
    %dma_start3A_115 = arith.constant 0 : i32
    %dma_start3A_116 = tpu.memref_slice %arg2[%dma_start3A_114, %dma_start3A_115] : memref<1000000x32xf32, #tpu.memory_space<hbm>> -> memref<1000000x32xf32, #tpu.memory_space<hbm>>
    tpu.enqueue_indirect_dma source(%dma_start3A_116 : memref<1000000x32xf32, #tpu.memory_space<hbm>>) target(%dma_start3A_111 : memref<1600x32xf32, #tpu.memory_space<vmem>>) offsets(%dma_start3A_113 : memref<1600xi32, #tpu.memory_space<vmem>>) semaphore(%arg8 : memref<!tpu.dma_semaphore, #tpu.memory_space<semaphore_mem>>)
    %dma_wait3A_117 = arith.constant 0 : i32
    %dma_wait3A_118 = arith.constant 0 : i32
    %dma_wait3A_119 = arith.constant 0 : i32
    %dma_wait3A_120 = tpu.memref_slice %arg6[%dma_wait3A_117, %dma_wait3A_118, %dma_wait3A_119] : memref<2x1600x32xf32, #tpu.memory_space<vmem>> -> memref<1x1600x32xf32, #tpu.memory_space<vmem>>
    %dma_wait3A_121 = tpu.memref_squeeze %dma_wait3A_120 : memref<1x1600x32xf32, #tpu.memory_space<vmem>> -> memref<1600x32xf32, #tpu.memory_space<vmem>>
    %dma_wait3A_122 = arith.constant 3200 : i32
    %dma_wait3A_123 = tpu.memref_slice %arg5[%dma_wait3A_122] : memref<25600xi32, #tpu.memory_space<vmem>> -> memref<1600xi32, #tpu.memory_space<vmem>>
    %dma_wait3A_124 = arith.constant 0 : i32
    %dma_wait3A_125 = arith.constant 0 : i32
    %dma_wait3A_126 = tpu.memref_slice %arg2[%dma_wait3A_124, %dma_wait3A_125] : memref<1000000x32xf32, #tpu.memory_space<hbm>> -> memref<1000000x32xf32, #tpu.memory_space<hbm>>
    tpu.wait_indirect_dma semaphore(%arg7 : memref<!tpu.dma_semaphore, #tpu.memory_space<semaphore_mem>>) src(%dma_wait3A_126 : memref<1000000x32xf32, #tpu.memory_space<hbm>>) dst(%dma_wait3A_121 : memref<1600x32xf32, #tpu.memory_space<vmem>>)
    %add3A_127 = arith.constant 3200 : i32
    %add3A_128 = arith.addi %mul3A_2, %add3A_127 : i32
    %dma_start3A_129 = arith.constant 0 : i32
    %dma_start3A_130 = arith.constant 0 : i32
    %dma_start3A_131 = arith.constant 0 : i32
    %dma_start3A_132 = tpu.memref_slice %arg6[%dma_start3A_129, %dma_start3A_130, %dma_start3A_131] : memref<2x1600x32xf32, #tpu.memory_space<vmem>> -> memref<1x1600x32xf32, #tpu.memory_space<vmem>>
    %dma_start3A_133 = tpu.memref_squeeze %dma_start3A_132 : memref<1x1600x32xf32, #tpu.memory_space<vmem>> -> memref<1600x32xf32, #tpu.memory_space<vmem>>
    %dma_start3A_134 = arith.constant 0 : i32
    %dma_start3A_135 = tpu.memref_slice %arg4[%add3A_128, %dma_start3A_134] : memref<819200x32xf32, #tpu.memory_space<hbm>> -> memref<1600x32xf32, #tpu.memory_space<hbm>>
    %dma_start3A_136 = arith.constant 0 : i32
    %dma_start3A_137 = tpu.memref_slice %arg4[%add3A_128, %dma_start3A_136] : memref<819200x32xf32, #tpu.memory_space<hbm>> -> memref<1600x32xf32, #tpu.memory_space<hbm>>
    %dma_start3A_138 = arith.constant 0 : i32
    %dma_start3A_139 = arith.constant 0 : i32
    %dma_start3A_140 = tpu.memref_slice %arg6[%dma_start3A_129, %dma_start3A_138, %dma_start3A_139] : memref<2x1600x32xf32, #tpu.memory_space<vmem>> -> memref<1x1600x32xf32, #tpu.memory_space<vmem>>
    %dma_start3A_141 = tpu.memref_squeeze %dma_start3A_140 : memref<1x1600x32xf32, #tpu.memory_space<vmem>> -> memref<1600x32xf32, #tpu.memory_space<vmem>>
    tpu.enqueue_dma source(%dma_start3A_141 : memref<1600x32xf32, #tpu.memory_space<vmem>>) target(%dma_start3A_137 : memref<1600x32xf32, #tpu.memory_space<hbm>>) target_semaphore(%arg9 : memref<!tpu.dma_semaphore, #tpu.memory_space<semaphore_mem>>)
    %dma_wait3A_142 = arith.constant 0 : i32
    %dma_wait3A_143 = arith.constant 0 : i32
    %dma_wait3A_144 = arith.constant 0 : i32
    %dma_wait3A_145 = tpu.memref_slice %arg6[%dma_wait3A_142, %dma_wait3A_143, %dma_wait3A_144] : memref<2x1600x32xf32, #tpu.memory_space<vmem>> -> memref<1x1600x32xf32, #tpu.memory_space<vmem>>
    %dma_wait3A_146 = tpu.memref_squeeze %dma_wait3A_145 : memref<1x1600x32xf32, #tpu.memory_space<vmem>> -> memref<1600x32xf32, #tpu.memory_space<vmem>>
    %dma_wait3A_147 = arith.constant 0 : i32
    %dma_wait3A_148 = tpu.memref_slice %arg4[%add3A_128, %dma_wait3A_147] : memref<819200x32xf32, #tpu.memory_space<hbm>> -> memref<1600x32xf32, #tpu.memory_space<hbm>>
    %dma_wait3A_149 = arith.constant 0 : i32
    %dma_wait3A_150 = tpu.memref_slice %arg4[%add3A_128, %dma_wait3A_149] : memref<819200x32xf32, #tpu.memory_space<hbm>> -> memref<1600x32xf32, #tpu.memory_space<hbm>>
    %dma_wait3A_151 = arith.constant 0 : i32
    %dma_wait3A_152 = arith.constant 0 : i32
    %dma_wait3A_153 = tpu.memref_slice %arg6[%dma_wait3A_142, %dma_wait3A_151, %dma_wait3A_152] : memref<2x1600x32xf32, #tpu.memory_space<vmem>> -> memref<1x1600x32xf32, #tpu.memory_space<vmem>>
    %dma_wait3A_154 = tpu.memref_squeeze %dma_wait3A_153 : memref<1x1600x32xf32, #tpu.memory_space<vmem>> -> memref<1600x32xf32, #tpu.memory_space<vmem>>
    tpu.wait_dma2 semaphore(%arg9 : memref<!tpu.dma_semaphore, #tpu.memory_space<semaphore_mem>>) src(%dma_wait3A_154 : memref<1600x32xf32, #tpu.memory_space<vmem>>) dst(%dma_wait3A_150 : memref<1600x32xf32, #tpu.memory_space<hbm>>)
    %dma_start3A_155 = arith.constant 0 : i32
    %dma_start3A_156 = arith.constant 0 : i32
    %dma_start3A_157 = arith.constant 0 : i32
    %dma_start3A_158 = tpu.memref_slice %arg6[%dma_start3A_155, %dma_start3A_156, %dma_start3A_157] : memref<2x1600x32xf32, #tpu.memory_space<vmem>> -> memref<1x1600x32xf32, #tpu.memory_space<vmem>>
    %dma_start3A_159 = tpu.memref_squeeze %dma_start3A_158 : memref<1x1600x32xf32, #tpu.memory_space<vmem>> -> memref<1600x32xf32, #tpu.memory_space<vmem>>
    %dma_start3A_160 = arith.constant 6400 : i32
    %dma_start3A_161 = tpu.memref_slice %arg5[%dma_start3A_160] : memref<25600xi32, #tpu.memory_space<vmem>> -> memref<1600xi32, #tpu.memory_space<vmem>>
    %dma_start3A_162 = arith.constant 0 : i32
    %dma_start3A_163 = arith.constant 0 : i32
    %dma_start3A_164 = tpu.memref_slice %arg2[%dma_start3A_162, %dma_start3A_163] : memref<1000000x32xf32, #tpu.memory_space<hbm>> -> memref<1000000x32xf32, #tpu.memory_space<hbm>>
    tpu.enqueue_indirect_dma source(%dma_start3A_164 : memref<1000000x32xf32, #tpu.memory_space<hbm>>) target(%dma_start3A_159 : memref<1600x32xf32, #tpu.memory_space<vmem>>) offsets(%dma_start3A_161 : memref<1600xi32, #tpu.memory_space<vmem>>) semaphore(%arg7 : memref<!tpu.dma_semaphore, #tpu.memory_space<semaphore_mem>>)
    %dma_wait3A_165 = arith.constant 1 : i32
    %dma_wait3A_166 = arith.constant 0 : i32
    %dma_wait3A_167 = arith.constant 0 : i32
    %dma_wait3A_168 = tpu.memref_slice %arg6[%dma_wait3A_165, %dma_wait3A_166, %dma_wait3A_167] : memref<2x1600x32xf32, #tpu.memory_space<vmem>> -> memref<1x1600x32xf32, #tpu.memory_space<vmem>>
    %dma_wait3A_169 = tpu.memref_squeeze %dma_wait3A_168 : memref<1x1600x32xf32, #tpu.memory_space<vmem>> -> memref<1600x32xf32, #tpu.memory_space<vmem>>
    %dma_wait3A_170 = arith.constant 4800 : i32
    %dma_wait3A_171 = tpu.memref_slice %arg5[%dma_wait3A_170] : memref<25600xi32, #tpu.memory_space<vmem>> -> memref<1600xi32, #tpu.memory_space<vmem>>
    %dma_wait3A_172 = arith.constant 0 : i32
    %dma_wait3A_173 = arith.constant 0 : i32
    %dma_wait3A_174 = tpu.memref_slice %arg2[%dma_wait3A_172, %dma_wait3A_173] : memref<1000000x32xf32, #tpu.memory_space<hbm>> -> memref<1000000x32xf32, #tpu.memory_space<hbm>>
    tpu.wait_indirect_dma semaphore(%arg8 : memref<!tpu.dma_semaphore, #tpu.memory_space<semaphore_mem>>) src(%dma_wait3A_174 : memref<1000000x32xf32, #tpu.memory_space<hbm>>) dst(%dma_wait3A_169 : memref<1600x32xf32, #tpu.memory_space<vmem>>)
    %add3A_175 = arith.constant 4800 : i32
    %add3A_176 = arith.addi %mul3A_2, %add3A_175 : i32
    %dma_start3A_177 = arith.constant 1 : i32
    %dma_start3A_178 = arith.constant 0 : i32
    %dma_start3A_179 = arith.constant 0 : i32
    %dma_start3A_180 = tpu.memref_slice %arg6[%dma_start3A_177, %dma_start3A_178, %dma_start3A_179] : memref<2x1600x32xf32, #tpu.memory_space<vmem>> -> memref<1x1600x32xf32, #tpu.memory_space<vmem>>
    %dma_start3A_181 = tpu.memref_squeeze %dma_start3A_180 : memref<1x1600x32xf32, #tpu.memory_space<vmem>> -> memref<1600x32xf32, #tpu.memory_space<vmem>>
    %dma_start3A_182 = arith.constant 0 : i32
    %dma_start3A_183 = tpu.memref_slice %arg4[%add3A_176, %dma_start3A_182] : memref<819200x32xf32, #tpu.memory_space<hbm>> -> memref<1600x32xf32, #tpu.memory_space<hbm>>
    %dma_start3A_184 = arith.constant 0 : i32
    %dma_start3A_185 = tpu.memref_slice %arg4[%add3A_176, %dma_start3A_184] : memref<819200x32xf32, #tpu.memory_space<hbm>> -> memref<1600x32xf32, #tpu.memory_space<hbm>>
    %dma_start3A_186 = arith.constant 0 : i32
    %dma_start3A_187 = arith.constant 0 : i32
    %dma_start3A_188 = tpu.memref_slice %arg6[%dma_start3A_177, %dma_start3A_186, %dma_start3A_187] : memref<2x1600x32xf32, #tpu.memory_space<vmem>> -> memref<1x1600x32xf32, #tpu.memory_space<vmem>>
    %dma_start3A_189 = tpu.memref_squeeze %dma_start3A_188 : memref<1x1600x32xf32, #tpu.memory_space<vmem>> -> memref<1600x32xf32, #tpu.memory_space<vmem>>
    tpu.enqueue_dma source(%dma_start3A_189 : memref<1600x32xf32, #tpu.memory_space<vmem>>) target(%dma_start3A_185 : memref<1600x32xf32, #tpu.memory_space<hbm>>) target_semaphore(%arg10 : memref<!tpu.dma_semaphore, #tpu.memory_space<semaphore_mem>>)
    %dma_wait3A_190 = arith.constant 1 : i32
    %dma_wait3A_191 = arith.constant 0 : i32
    %dma_wait3A_192 = arith.constant 0 : i32
    %dma_wait3A_193 = tpu.memref_slice %arg6[%dma_wait3A_190, %dma_wait3A_191, %dma_wait3A_192] : memref<2x1600x32xf32, #tpu.memory_space<vmem>> -> memref<1x1600x32xf32, #tpu.memory_space<vmem>>
    %dma_wait3A_194 = tpu.memref_squeeze %dma_wait3A_193 : memref<1x1600x32xf32, #tpu.memory_space<vmem>> -> memref<1600x32xf32, #tpu.memory_space<vmem>>
    %dma_wait3A_195 = arith.constant 0 : i32
    %dma_wait3A_196 = tpu.memref_slice %arg4[%add3A_176, %dma_wait3A_195] : memref<819200x32xf32, #tpu.memory_space<hbm>> -> memref<1600x32xf32, #tpu.memory_space<hbm>>
    %dma_wait3A_197 = arith.constant 0 : i32
    %dma_wait3A_198 = tpu.memref_slice %arg4[%add3A_176, %dma_wait3A_197] : memref<819200x32xf32, #tpu.memory_space<hbm>> -> memref<1600x32xf32, #tpu.memory_space<hbm>>
    %dma_wait3A_199 = arith.constant 0 : i32
    %dma_wait3A_200 = arith.constant 0 : i32
    %dma_wait3A_201 = tpu.memref_slice %arg6[%dma_wait3A_190, %dma_wait3A_199, %dma_wait3A_200] : memref<2x1600x32xf32, #tpu.memory_space<vmem>> -> memref<1x1600x32xf32, #tpu.memory_space<vmem>>
    %dma_wait3A_202 = tpu.memref_squeeze %dma_wait3A_201 : memref<1x1600x32xf32, #tpu.memory_space<vmem>> -> memref<1600x32xf32, #tpu.memory_space<vmem>>
    tpu.wait_dma2 semaphore(%arg10 : memref<!tpu.dma_semaphore, #tpu.memory_space<semaphore_mem>>) src(%dma_wait3A_202 : memref<1600x32xf32, #tpu.memory_space<vmem>>) dst(%dma_wait3A_198 : memref<1600x32xf32, #tpu.memory_space<hbm>>)
    %dma_start3A_203 = arith.constant 1 : i32
    %dma_start3A_204 = arith.constant 0 : i32
    %dma_start3A_205 = arith.constant 0 : i32
    %dma_start3A_206 = tpu.memref_slice %arg6[%dma_start3A_203, %dma_start3A_204, %dma_start3A_205] : memref<2x1600x32xf32, #tpu.memory_space<vmem>> -> memref<1x1600x32xf32, #tpu.memory_space<vmem>>
    %dma_start3A_207 = tpu.memref_squeeze %dma_start3A_206 : memref<1x1600x32xf32, #tpu.memory_space<vmem>> -> memref<1600x32xf32, #tpu.memory_space<vmem>>
    %dma_start3A_208 = arith.constant 8000 : i32
    %dma_start3A_209 = tpu.memref_slice %arg5[%dma_start3A_208] : memref<25600xi32, #tpu.memory_space<vmem>> -> memref<1600xi32, #tpu.memory_space<vmem>>
    %dma_start3A_210 = arith.constant 0 : i32
    %dma_start3A_211 = arith.constant 0 : i32
    %dma_start3A_212 = tpu.memref_slice %arg2[%dma_start3A_210, %dma_start3A_211] : memref<1000000x32xf32, #tpu.memory_space<hbm>> -> memref<1000000x32xf32, #tpu.memory_space<hbm>>
    tpu.enqueue_indirect_dma source(%dma_start3A_212 : memref<1000000x32xf32, #tpu.memory_space<hbm>>) target(%dma_start3A_207 : memref<1600x32xf32, #tpu.memory_space<vmem>>) offsets(%dma_start3A_209 : memref<1600xi32, #tpu.memory_space<vmem>>) semaphore(%arg8 : memref<!tpu.dma_semaphore, #tpu.memory_space<semaphore_mem>>)
    %dma_wait3A_213 = arith.constant 0 : i32
    %dma_wait3A_214 = arith.constant 0 : i32
    %dma_wait3A_215 = arith.constant 0 : i32
    %dma_wait3A_216 = tpu.memref_slice %arg6[%dma_wait3A_213, %dma_wait3A_214, %dma_wait3A_215] : memref<2x1600x32xf32, #tpu.memory_space<vmem>> -> memref<1x1600x32xf32, #tpu.memory_space<vmem>>
    %dma_wait3A_217 = tpu.memref_squeeze %dma_wait3A_216 : memref<1x1600x32xf32, #tpu.memory_space<vmem>> -> memref<1600x32xf32, #tpu.memory_space<vmem>>
    %dma_wait3A_218 = arith.constant 6400 : i32
    %dma_wait3A_219 = tpu.memref_slice %arg5[%dma_wait3A_218] : memref<25600xi32, #tpu.memory_space<vmem>> -> memref<1600xi32, #tpu.memory_space<vmem>>
    %dma_wait3A_220 = arith.constant 0 : i32
    %dma_wait3A_221 = arith.constant 0 : i32
    %dma_wait3A_222 = tpu.memref_slice %arg2[%dma_wait3A_220, %dma_wait3A_221] : memref<1000000x32xf32, #tpu.memory_space<hbm>> -> memref<1000000x32xf32, #tpu.memory_space<hbm>>
    tpu.wait_indirect_dma semaphore(%arg7 : memref<!tpu.dma_semaphore, #tpu.memory_space<semaphore_mem>>) src(%dma_wait3A_222 : memref<1000000x32xf32, #tpu.memory_space<hbm>>) dst(%dma_wait3A_217 : memref<1600x32xf32, #tpu.memory_space<vmem>>)
    %add3A_223 = arith.constant 6400 : i32
    %add3A_224 = arith.addi %mul3A_2, %add3A_223 : i32
    %dma_start3A_225 = arith.constant 0 : i32
    %dma_start3A_226 = arith.constant 0 : i32
    %dma_start3A_227 = arith.constant 0 : i32
    %dma_start3A_228 = tpu.memref_slice %arg6[%dma_start3A_225, %dma_start3A_226, %dma_start3A_227] : memref<2x1600x32xf32, #tpu.memory_space<vmem>> -> memref<1x1600x32xf32, #tpu.memory_space<vmem>>
    %dma_start3A_229 = tpu.memref_squeeze %dma_start3A_228 : memref<1x1600x32xf32, #tpu.memory_space<vmem>> -> memref<1600x32xf32, #tpu.memory_space<vmem>>
    %dma_start3A_230 = arith.constant 0 : i32
    %dma_start3A_231 = tpu.memref_slice %arg4[%add3A_224, %dma_start3A_230] : memref<819200x32xf32, #tpu.memory_space<hbm>> -> memref<1600x32xf32, #tpu.memory_space<hbm>>
    %dma_start3A_232 = arith.constant 0 : i32
    %dma_start3A_233 = tpu.memref_slice %arg4[%add3A_224, %dma_start3A_232] : memref<819200x32xf32, #tpu.memory_space<hbm>> -> memref<1600x32xf32, #tpu.memory_space<hbm>>
    %dma_start3A_234 = arith.constant 0 : i32
    %dma_start3A_235 = arith.constant 0 : i32
    %dma_start3A_236 = tpu.memref_slice %arg6[%dma_start3A_225, %dma_start3A_234, %dma_start3A_235] : memref<2x1600x32xf32, #tpu.memory_space<vmem>> -> memref<1x1600x32xf32, #tpu.memory_space<vmem>>
    %dma_start3A_237 = tpu.memref_squeeze %dma_start3A_236 : memref<1x1600x32xf32, #tpu.memory_space<vmem>> -> memref<1600x32xf32, #tpu.memory_space<vmem>>
    tpu.enqueue_dma source(%dma_start3A_237 : memref<1600x32xf32, #tpu.memory_space<vmem>>) target(%dma_start3A_233 : memref<1600x32xf32, #tpu.memory_space<hbm>>) target_semaphore(%arg9 : memref<!tpu.dma_semaphore, #tpu.memory_space<semaphore_mem>>)
    %dma_wait3A_238 = arith.constant 0 : i32
    %dma_wait3A_239 = arith.constant 0 : i32
    %dma_wait3A_240 = arith.constant 0 : i32
    %dma_wait3A_241 = tpu.memref_slice %arg6[%dma_wait3A_238, %dma_wait3A_239, %dma_wait3A_240] : memref<2x1600x32xf32, #tpu.memory_space<vmem>> -> memref<1x1600x32xf32, #tpu.memory_space<vmem>>
    %dma_wait3A_242 = tpu.memref_squeeze %dma_wait3A_241 : memref<1x1600x32xf32, #tpu.memory_space<vmem>> -> memref<1600x32xf32, #tpu.memory_space<vmem>>
    %dma_wait3A_243 = arith.constant 0 : i32
    %dma_wait3A_244 = tpu.memref_slice %arg4[%add3A_224, %dma_wait3A_243] : memref<819200x32xf32, #tpu.memory_space<hbm>> -> memref<1600x32xf32, #tpu.memory_space<hbm>>
    %dma_wait3A_245 = arith.constant 0 : i32
    %dma_wait3A_246 = tpu.memref_slice %arg4[%add3A_224, %dma_wait3A_245] : memref<819200x32xf32, #tpu.memory_space<hbm>> -> memref<1600x32xf32, #tpu.memory_space<hbm>>
    %dma_wait3A_247 = arith.constant 0 : i32
    %dma_wait3A_248 = arith.constant 0 : i32
    %dma_wait3A_249 = tpu.memref_slice %arg6[%dma_wait3A_238, %dma_wait3A_247, %dma_wait3A_248] : memref<2x1600x32xf32, #tpu.memory_space<vmem>> -> memref<1x1600x32xf32, #tpu.memory_space<vmem>>
    %dma_wait3A_250 = tpu.memref_squeeze %dma_wait3A_249 : memref<1x1600x32xf32, #tpu.memory_space<vmem>> -> memref<1600x32xf32, #tpu.memory_space<vmem>>
    tpu.wait_dma2 semaphore(%arg9 : memref<!tpu.dma_semaphore, #tpu.memory_space<semaphore_mem>>) src(%dma_wait3A_250 : memref<1600x32xf32, #tpu.memory_space<vmem>>) dst(%dma_wait3A_246 : memref<1600x32xf32, #tpu.memory_space<hbm>>)
    %dma_start3A_251 = arith.constant 0 : i32
    %dma_start3A_252 = arith.constant 0 : i32
    %dma_start3A_253 = arith.constant 0 : i32
    %dma_start3A_254 = tpu.memref_slice %arg6[%dma_start3A_251, %dma_start3A_252, %dma_start3A_253] : memref<2x1600x32xf32, #tpu.memory_space<vmem>> -> memref<1x1600x32xf32, #tpu.memory_space<vmem>>
    %dma_start3A_255 = tpu.memref_squeeze %dma_start3A_254 : memref<1x1600x32xf32, #tpu.memory_space<vmem>> -> memref<1600x32xf32, #tpu.memory_space<vmem>>
    %dma_start3A_256 = arith.constant 9600 : i32
    %dma_start3A_257 = tpu.memref_slice %arg5[%dma_start3A_256] : memref<25600xi32, #tpu.memory_space<vmem>> -> memref<1600xi32, #tpu.memory_space<vmem>>
    %dma_start3A_258 = arith.constant 0 : i32
    %dma_start3A_259 = arith.constant 0 : i32
    %dma_start3A_260 = tpu.memref_slice %arg2[%dma_start3A_258, %dma_start3A_259] : memref<1000000x32xf32, #tpu.memory_space<hbm>> -> memref<1000000x32xf32, #tpu.memory_space<hbm>>
    tpu.enqueue_indirect_dma source(%dma_start3A_260 : memref<1000000x32xf32, #tpu.memory_space<hbm>>) target(%dma_start3A_255 : memref<1600x32xf32, #tpu.memory_space<vmem>>) offsets(%dma_start3A_257 : memref<1600xi32, #tpu.memory_space<vmem>>) semaphore(%arg7 : memref<!tpu.dma_semaphore, #tpu.memory_space<semaphore_mem>>)
    %dma_wait3A_261 = arith.constant 1 : i32
    %dma_wait3A_262 = arith.constant 0 : i32
    %dma_wait3A_263 = arith.constant 0 : i32
    %dma_wait3A_264 = tpu.memref_slice %arg6[%dma_wait3A_261, %dma_wait3A_262, %dma_wait3A_263] : memref<2x1600x32xf32, #tpu.memory_space<vmem>> -> memref<1x1600x32xf32, #tpu.memory_space<vmem>>
    %dma_wait3A_265 = tpu.memref_squeeze %dma_wait3A_264 : memref<1x1600x32xf32, #tpu.memory_space<vmem>> -> memref<1600x32xf32, #tpu.memory_space<vmem>>
    %dma_wait3A_266 = arith.constant 8000 : i32
    %dma_wait3A_267 = tpu.memref_slice %arg5[%dma_wait3A_266] : memref<25600xi32, #tpu.memory_space<vmem>> -> memref<1600xi32, #tpu.memory_space<vmem>>
    %dma_wait3A_268 = arith.constant 0 : i32
    %dma_wait3A_269 = arith.constant 0 : i32
    %dma_wait3A_270 = tpu.memref_slice %arg2[%dma_wait3A_268, %dma_wait3A_269] : memref<1000000x32xf32, #tpu.memory_space<hbm>> -> memref<1000000x32xf32, #tpu.memory_space<hbm>>
    tpu.wait_indirect_dma semaphore(%arg8 : memref<!tpu.dma_semaphore, #tpu.memory_space<semaphore_mem>>) src(%dma_wait3A_270 : memref<1000000x32xf32, #tpu.memory_space<hbm>>) dst(%dma_wait3A_265 : memref<1600x32xf32, #tpu.memory_space<vmem>>)
    %add3A_271 = arith.constant 8000 : i32
    %add3A_272 = arith.addi %mul3A_2, %add3A_271 : i32
    %dma_start3A_273 = arith.constant 1 : i32
    %dma_start3A_274 = arith.constant 0 : i32
    %dma_start3A_275 = arith.constant 0 : i32
    %dma_start3A_276 = tpu.memref_slice %arg6[%dma_start3A_273, %dma_start3A_274, %dma_start3A_275] : memref<2x1600x32xf32, #tpu.memory_space<vmem>> -> memref<1x1600x32xf32, #tpu.memory_space<vmem>>
    %dma_start3A_277 = tpu.memref_squeeze %dma_start3A_276 : memref<1x1600x32xf32, #tpu.memory_space<vmem>> -> memref<1600x32xf32, #tpu.memory_space<vmem>>
    %dma_start3A_278 = arith.constant 0 : i32
    %dma_start3A_279 = tpu.memref_slice %arg4[%add3A_272, %dma_start3A_278] : memref<819200x32xf32, #tpu.memory_space<hbm>> -> memref<1600x32xf32, #tpu.memory_space<hbm>>
    %dma_start3A_280 = arith.constant 0 : i32
    %dma_start3A_281 = tpu.memref_slice %arg4[%add3A_272, %dma_start3A_280] : memref<819200x32xf32, #tpu.memory_space<hbm>> -> memref<1600x32xf32, #tpu.memory_space<hbm>>
    %dma_start3A_282 = arith.constant 0 : i32
    %dma_start3A_283 = arith.constant 0 : i32
    %dma_start3A_284 = tpu.memref_slice %arg6[%dma_start3A_273, %dma_start3A_282, %dma_start3A_283] : memref<2x1600x32xf32, #tpu.memory_space<vmem>> -> memref<1x1600x32xf32, #tpu.memory_space<vmem>>
    %dma_start3A_285 = tpu.memref_squeeze %dma_start3A_284 : memref<1x1600x32xf32, #tpu.memory_space<vmem>> -> memref<1600x32xf32, #tpu.memory_space<vmem>>
    tpu.enqueue_dma source(%dma_start3A_285 : memref<1600x32xf32, #tpu.memory_space<vmem>>) target(%dma_start3A_281 : memref<1600x32xf32, #tpu.memory_space<hbm>>) target_semaphore(%arg10 : memref<!tpu.dma_semaphore, #tpu.memory_space<semaphore_mem>>)
    %dma_wait3A_286 = arith.constant 1 : i32
    %dma_wait3A_287 = arith.constant 0 : i32
    %dma_wait3A_288 = arith.constant 0 : i32
    %dma_wait3A_289 = tpu.memref_slice %arg6[%dma_wait3A_286, %dma_wait3A_287, %dma_wait3A_288] : memref<2x1600x32xf32, #tpu.memory_space<vmem>> -> memref<1x1600x32xf32, #tpu.memory_space<vmem>>
    %dma_wait3A_290 = tpu.memref_squeeze %dma_wait3A_289 : memref<1x1600x32xf32, #tpu.memory_space<vmem>> -> memref<1600x32xf32, #tpu.memory_space<vmem>>
    %dma_wait3A_291 = arith.constant 0 : i32
    %dma_wait3A_292 = tpu.memref_slice %arg4[%add3A_272, %dma_wait3A_291] : memref<819200x32xf32, #tpu.memory_space<hbm>> -> memref<1600x32xf32, #tpu.memory_space<hbm>>
    %dma_wait3A_293 = arith.constant 0 : i32
    %dma_wait3A_294 = tpu.memref_slice %arg4[%add3A_272, %dma_wait3A_293] : memref<819200x32xf32, #tpu.memory_space<hbm>> -> memref<1600x32xf32, #tpu.memory_space<hbm>>
    %dma_wait3A_295 = arith.constant 0 : i32
    %dma_wait3A_296 = arith.constant 0 : i32
    %dma_wait3A_297 = tpu.memref_slice %arg6[%dma_wait3A_286, %dma_wait3A_295, %dma_wait3A_296] : memref<2x1600x32xf32, #tpu.memory_space<vmem>> -> memref<1x1600x32xf32, #tpu.memory_space<vmem>>
    %dma_wait3A_298 = tpu.memref_squeeze %dma_wait3A_297 : memref<1x1600x32xf32, #tpu.memory_space<vmem>> -> memref<1600x32xf32, #tpu.memory_space<vmem>>
    tpu.wait_dma2 semaphore(%arg10 : memref<!tpu.dma_semaphore, #tpu.memory_space<semaphore_mem>>) src(%dma_wait3A_298 : memref<1600x32xf32, #tpu.memory_space<vmem>>) dst(%dma_wait3A_294 : memref<1600x32xf32, #tpu.memory_space<hbm>>)
    %dma_start3A_299 = arith.constant 1 : i32
    %dma_start3A_300 = arith.constant 0 : i32
    %dma_start3A_301 = arith.constant 0 : i32
    %dma_start3A_302 = tpu.memref_slice %arg6[%dma_start3A_299, %dma_start3A_300, %dma_start3A_301] : memref<2x1600x32xf32, #tpu.memory_space<vmem>> -> memref<1x1600x32xf32, #tpu.memory_space<vmem>>
    %dma_start3A_303 = tpu.memref_squeeze %dma_start3A_302 : memref<1x1600x32xf32, #tpu.memory_space<vmem>> -> memref<1600x32xf32, #tpu.memory_space<vmem>>
    %dma_start3A_304 = arith.constant 11200 : i32
    %dma_start3A_305 = tpu.memref_slice %arg5[%dma_start3A_304] : memref<25600xi32, #tpu.memory_space<vmem>> -> memref<1600xi32, #tpu.memory_space<vmem>>
    %dma_start3A_306 = arith.constant 0 : i32
    %dma_start3A_307 = arith.constant 0 : i32
    %dma_start3A_308 = tpu.memref_slice %arg2[%dma_start3A_306, %dma_start3A_307] : memref<1000000x32xf32, #tpu.memory_space<hbm>> -> memref<1000000x32xf32, #tpu.memory_space<hbm>>
    tpu.enqueue_indirect_dma source(%dma_start3A_308 : memref<1000000x32xf32, #tpu.memory_space<hbm>>) target(%dma_start3A_303 : memref<1600x32xf32, #tpu.memory_space<vmem>>) offsets(%dma_start3A_305 : memref<1600xi32, #tpu.memory_space<vmem>>) semaphore(%arg8 : memref<!tpu.dma_semaphore, #tpu.memory_space<semaphore_mem>>)
    %dma_wait3A_309 = arith.constant 0 : i32
    %dma_wait3A_310 = arith.constant 0 : i32
    %dma_wait3A_311 = arith.constant 0 : i32
    %dma_wait3A_312 = tpu.memref_slice %arg6[%dma_wait3A_309, %dma_wait3A_310, %dma_wait3A_311] : memref<2x1600x32xf32, #tpu.memory_space<vmem>> -> memref<1x1600x32xf32, #tpu.memory_space<vmem>>
    %dma_wait3A_313 = tpu.memref_squeeze %dma_wait3A_312 : memref<1x1600x32xf32, #tpu.memory_space<vmem>> -> memref<1600x32xf32, #tpu.memory_space<vmem>>
    %dma_wait3A_314 = arith.constant 9600 : i32
    %dma_wait3A_315 = tpu.memref_slice %arg5[%dma_wait3A_314] : memref<25600xi32, #tpu.memory_space<vmem>> -> memref<1600xi32, #tpu.memory_space<vmem>>
    %dma_wait3A_316 = arith.constant 0 : i32
    %dma_wait3A_317 = arith.constant 0 : i32
    %dma_wait3A_318 = tpu.memref_slice %arg2[%dma_wait3A_316, %dma_wait3A_317] : memref<1000000x32xf32, #tpu.memory_space<hbm>> -> memref<1000000x32xf32, #tpu.memory_space<hbm>>
    tpu.wait_indirect_dma semaphore(%arg7 : memref<!tpu.dma_semaphore, #tpu.memory_space<semaphore_mem>>) src(%dma_wait3A_318 : memref<1000000x32xf32, #tpu.memory_space<hbm>>) dst(%dma_wait3A_313 : memref<1600x32xf32, #tpu.memory_space<vmem>>)
    %add3A_319 = arith.constant 9600 : i32
    %add3A_320 = arith.addi %mul3A_2, %add3A_319 : i32
    %dma_start3A_321 = arith.constant 0 : i32
    %dma_start3A_322 = arith.constant 0 : i32
    %dma_start3A_323 = arith.constant 0 : i32
    %dma_start3A_324 = tpu.memref_slice %arg6[%dma_start3A_321, %dma_start3A_322, %dma_start3A_323] : memref<2x1600x32xf32, #tpu.memory_space<vmem>> -> memref<1x1600x32xf32, #tpu.memory_space<vmem>>
    %dma_start3A_325 = tpu.memref_squeeze %dma_start3A_324 : memref<1x1600x32xf32, #tpu.memory_space<vmem>> -> memref<1600x32xf32, #tpu.memory_space<vmem>>
    %dma_start3A_326 = arith.constant 0 : i32
    %dma_start3A_327 = tpu.memref_slice %arg4[%add3A_320, %dma_start3A_326] : memref<819200x32xf32, #tpu.memory_space<hbm>> -> memref<1600x32xf32, #tpu.memory_space<hbm>>
    %dma_start3A_328 = arith.constant 0 : i32
    %dma_start3A_329 = tpu.memref_slice %arg4[%add3A_320, %dma_start3A_328] : memref<819200x32xf32, #tpu.memory_space<hbm>> -> memref<1600x32xf32, #tpu.memory_space<hbm>>
    %dma_start3A_330 = arith.constant 0 : i32
    %dma_start3A_331 = arith.constant 0 : i32
    %dma_start3A_332 = tpu.memref_slice %arg6[%dma_start3A_321, %dma_start3A_330, %dma_start3A_331] : memref<2x1600x32xf32, #tpu.memory_space<vmem>> -> memref<1x1600x32xf32, #tpu.memory_space<vmem>>
    %dma_start3A_333 = tpu.memref_squeeze %dma_start3A_332 : memref<1x1600x32xf32, #tpu.memory_space<vmem>> -> memref<1600x32xf32, #tpu.memory_space<vmem>>
    tpu.enqueue_dma source(%dma_start3A_333 : memref<1600x32xf32, #tpu.memory_space<vmem>>) target(%dma_start3A_329 : memref<1600x32xf32, #tpu.memory_space<hbm>>) target_semaphore(%arg9 : memref<!tpu.dma_semaphore, #tpu.memory_space<semaphore_mem>>)
    %dma_wait3A_334 = arith.constant 0 : i32
    %dma_wait3A_335 = arith.constant 0 : i32
    %dma_wait3A_336 = arith.constant 0 : i32
    %dma_wait3A_337 = tpu.memref_slice %arg6[%dma_wait3A_334, %dma_wait3A_335, %dma_wait3A_336] : memref<2x1600x32xf32, #tpu.memory_space<vmem>> -> memref<1x1600x32xf32, #tpu.memory_space<vmem>>
    %dma_wait3A_338 = tpu.memref_squeeze %dma_wait3A_337 : memref<1x1600x32xf32, #tpu.memory_space<vmem>> -> memref<1600x32xf32, #tpu.memory_space<vmem>>
    %dma_wait3A_339 = arith.constant 0 : i32
    %dma_wait3A_340 = tpu.memref_slice %arg4[%add3A_320, %dma_wait3A_339] : memref<819200x32xf32, #tpu.memory_space<hbm>> -> memref<1600x32xf32, #tpu.memory_space<hbm>>
    %dma_wait3A_341 = arith.constant 0 : i32
    %dma_wait3A_342 = tpu.memref_slice %arg4[%add3A_320, %dma_wait3A_341] : memref<819200x32xf32, #tpu.memory_space<hbm>> -> memref<1600x32xf32, #tpu.memory_space<hbm>>
    %dma_wait3A_343 = arith.constant 0 : i32
    %dma_wait3A_344 = arith.constant 0 : i32
    %dma_wait3A_345 = tpu.memref_slice %arg6[%dma_wait3A_334, %dma_wait3A_343, %dma_wait3A_344] : memref<2x1600x32xf32, #tpu.memory_space<vmem>> -> memref<1x1600x32xf32, #tpu.memory_space<vmem>>
    %dma_wait3A_346 = tpu.memref_squeeze %dma_wait3A_345 : memref<1x1600x32xf32, #tpu.memory_space<vmem>> -> memref<1600x32xf32, #tpu.memory_space<vmem>>
    tpu.wait_dma2 semaphore(%arg9 : memref<!tpu.dma_semaphore, #tpu.memory_space<semaphore_mem>>) src(%dma_wait3A_346 : memref<1600x32xf32, #tpu.memory_space<vmem>>) dst(%dma_wait3A_342 : memref<1600x32xf32, #tpu.memory_space<hbm>>)
    %dma_start3A_347 = arith.constant 0 : i32
    %dma_start3A_348 = arith.constant 0 : i32
    %dma_start3A_349 = arith.constant 0 : i32
    %dma_start3A_350 = tpu.memref_slice %arg6[%dma_start3A_347, %dma_start3A_348, %dma_start3A_349] : memref<2x1600x32xf32, #tpu.memory_space<vmem>> -> memref<1x1600x32xf32, #tpu.memory_space<vmem>>
    %dma_start3A_351 = tpu.memref_squeeze %dma_start3A_350 : memref<1x1600x32xf32, #tpu.memory_space<vmem>> -> memref<1600x32xf32, #tpu.memory_space<vmem>>
    %dma_start3A_352 = arith.constant 12800 : i32
    %dma_start3A_353 = tpu.memref_slice %arg5[%dma_start3A_352] : memref<25600xi32, #tpu.memory_space<vmem>> -> memref<1600xi32, #tpu.memory_space<vmem>>
    %dma_start3A_354 = arith.constant 0 : i32
    %dma_start3A_355 = arith.constant 0 : i32
    %dma_start3A_356 = tpu.memref_slice %arg2[%dma_start3A_354, %dma_start3A_355] : memref<1000000x32xf32, #tpu.memory_space<hbm>> -> memref<1000000x32xf32, #tpu.memory_space<hbm>>
    tpu.enqueue_indirect_dma source(%dma_start3A_356 : memref<1000000x32xf32, #tpu.memory_space<hbm>>) target(%dma_start3A_351 : memref<1600x32xf32, #tpu.memory_space<vmem>>) offsets(%dma_start3A_353 : memref<1600xi32, #tpu.memory_space<vmem>>) semaphore(%arg7 : memref<!tpu.dma_semaphore, #tpu.memory_space<semaphore_mem>>)
    %dma_wait3A_357 = arith.constant 1 : i32
    %dma_wait3A_358 = arith.constant 0 : i32
    %dma_wait3A_359 = arith.constant 0 : i32
    %dma_wait3A_360 = tpu.memref_slice %arg6[%dma_wait3A_357, %dma_wait3A_358, %dma_wait3A_359] : memref<2x1600x32xf32, #tpu.memory_space<vmem>> -> memref<1x1600x32xf32, #tpu.memory_space<vmem>>
    %dma_wait3A_361 = tpu.memref_squeeze %dma_wait3A_360 : memref<1x1600x32xf32, #tpu.memory_space<vmem>> -> memref<1600x32xf32, #tpu.memory_space<vmem>>
    %dma_wait3A_362 = arith.constant 11200 : i32
    %dma_wait3A_363 = tpu.memref_slice %arg5[%dma_wait3A_362] : memref<25600xi32, #tpu.memory_space<vmem>> -> memref<1600xi32, #tpu.memory_space<vmem>>
    %dma_wait3A_364 = arith.constant 0 : i32
    %dma_wait3A_365 = arith.constant 0 : i32
    %dma_wait3A_366 = tpu.memref_slice %arg2[%dma_wait3A_364, %dma_wait3A_365] : memref<1000000x32xf32, #tpu.memory_space<hbm>> -> memref<1000000x32xf32, #tpu.memory_space<hbm>>
    tpu.wait_indirect_dma semaphore(%arg8 : memref<!tpu.dma_semaphore, #tpu.memory_space<semaphore_mem>>) src(%dma_wait3A_366 : memref<1000000x32xf32, #tpu.memory_space<hbm>>) dst(%dma_wait3A_361 : memref<1600x32xf32, #tpu.memory_space<vmem>>)
    %add3A_367 = arith.constant 11200 : i32
    %add3A_368 = arith.addi %mul3A_2, %add3A_367 : i32
    %dma_start3A_369 = arith.constant 1 : i32
    %dma_start3A_370 = arith.constant 0 : i32
    %dma_start3A_371 = arith.constant 0 : i32
    %dma_start3A_372 = tpu.memref_slice %arg6[%dma_start3A_369, %dma_start3A_370, %dma_start3A_371] : memref<2x1600x32xf32, #tpu.memory_space<vmem>> -> memref<1x1600x32xf32, #tpu.memory_space<vmem>>
    %dma_start3A_373 = tpu.memref_squeeze %dma_start3A_372 : memref<1x1600x32xf32, #tpu.memory_space<vmem>> -> memref<1600x32xf32, #tpu.memory_space<vmem>>
    %dma_start3A_374 = arith.constant 0 : i32
    %dma_start3A_375 = tpu.memref_slice %arg4[%add3A_368, %dma_start3A_374] : memref<819200x32xf32, #tpu.memory_space<hbm>> -> memref<1600x32xf32, #tpu.memory_space<hbm>>
    %dma_start3A_376 = arith.constant 0 : i32
    %dma_start3A_377 = tpu.memref_slice %arg4[%add3A_368, %dma_start3A_376] : memref<819200x32xf32, #tpu.memory_space<hbm>> -> memref<1600x32xf32, #tpu.memory_space<hbm>>
    %dma_start3A_378 = arith.constant 0 : i32
    %dma_start3A_379 = arith.constant 0 : i32
    %dma_start3A_380 = tpu.memref_slice %arg6[%dma_start3A_369, %dma_start3A_378, %dma_start3A_379] : memref<2x1600x32xf32, #tpu.memory_space<vmem>> -> memref<1x1600x32xf32, #tpu.memory_space<vmem>>
    %dma_start3A_381 = tpu.memref_squeeze %dma_start3A_380 : memref<1x1600x32xf32, #tpu.memory_space<vmem>> -> memref<1600x32xf32, #tpu.memory_space<vmem>>
    tpu.enqueue_dma source(%dma_start3A_381 : memref<1600x32xf32, #tpu.memory_space<vmem>>) target(%dma_start3A_377 : memref<1600x32xf32, #tpu.memory_space<hbm>>) target_semaphore(%arg10 : memref<!tpu.dma_semaphore, #tpu.memory_space<semaphore_mem>>)
    %dma_wait3A_382 = arith.constant 1 : i32
    %dma_wait3A_383 = arith.constant 0 : i32
    %dma_wait3A_384 = arith.constant 0 : i32
    %dma_wait3A_385 = tpu.memref_slice %arg6[%dma_wait3A_382, %dma_wait3A_383, %dma_wait3A_384] : memref<2x1600x32xf32, #tpu.memory_space<vmem>> -> memref<1x1600x32xf32, #tpu.memory_space<vmem>>
    %dma_wait3A_386 = tpu.memref_squeeze %dma_wait3A_385 : memref<1x1600x32xf32, #tpu.memory_space<vmem>> -> memref<1600x32xf32, #tpu.memory_space<vmem>>
    %dma_wait3A_387 = arith.constant 0 : i32
    %dma_wait3A_388 = tpu.memref_slice %arg4[%add3A_368, %dma_wait3A_387] : memref<819200x32xf32, #tpu.memory_space<hbm>> -> memref<1600x32xf32, #tpu.memory_space<hbm>>
    %dma_wait3A_389 = arith.constant 0 : i32
    %dma_wait3A_390 = tpu.memref_slice %arg4[%add3A_368, %dma_wait3A_389] : memref<819200x32xf32, #tpu.memory_space<hbm>> -> memref<1600x32xf32, #tpu.memory_space<hbm>>
    %dma_wait3A_391 = arith.constant 0 : i32
    %dma_wait3A_392 = arith.constant 0 : i32
    %dma_wait3A_393 = tpu.memref_slice %arg6[%dma_wait3A_382, %dma_wait3A_391, %dma_wait3A_392] : memref<2x1600x32xf32, #tpu.memory_space<vmem>> -> memref<1x1600x32xf32, #tpu.memory_space<vmem>>
    %dma_wait3A_394 = tpu.memref_squeeze %dma_wait3A_393 : memref<1x1600x32xf32, #tpu.memory_space<vmem>> -> memref<1600x32xf32, #tpu.memory_space<vmem>>
    tpu.wait_dma2 semaphore(%arg10 : memref<!tpu.dma_semaphore, #tpu.memory_space<semaphore_mem>>) src(%dma_wait3A_394 : memref<1600x32xf32, #tpu.memory_space<vmem>>) dst(%dma_wait3A_390 : memref<1600x32xf32, #tpu.memory_space<hbm>>)
    %dma_start3A_395 = arith.constant 1 : i32
    %dma_start3A_396 = arith.constant 0 : i32
    %dma_start3A_397 = arith.constant 0 : i32
    %dma_start3A_398 = tpu.memref_slice %arg6[%dma_start3A_395, %dma_start3A_396, %dma_start3A_397] : memref<2x1600x32xf32, #tpu.memory_space<vmem>> -> memref<1x1600x32xf32, #tpu.memory_space<vmem>>
    %dma_start3A_399 = tpu.memref_squeeze %dma_start3A_398 : memref<1x1600x32xf32, #tpu.memory_space<vmem>> -> memref<1600x32xf32, #tpu.memory_space<vmem>>
    %dma_start3A_400 = arith.constant 14400 : i32
    %dma_start3A_401 = tpu.memref_slice %arg5[%dma_start3A_400] : memref<25600xi32, #tpu.memory_space<vmem>> -> memref<1600xi32, #tpu.memory_space<vmem>>
    %dma_start3A_402 = arith.constant 0 : i32
    %dma_start3A_403 = arith.constant 0 : i32
    %dma_start3A_404 = tpu.memref_slice %arg2[%dma_start3A_402, %dma_start3A_403] : memref<1000000x32xf32, #tpu.memory_space<hbm>> -> memref<1000000x32xf32, #tpu.memory_space<hbm>>
    tpu.enqueue_indirect_dma source(%dma_start3A_404 : memref<1000000x32xf32, #tpu.memory_space<hbm>>) target(%dma_start3A_399 : memref<1600x32xf32, #tpu.memory_space<vmem>>) offsets(%dma_start3A_401 : memref<1600xi32, #tpu.memory_space<vmem>>) semaphore(%arg8 : memref<!tpu.dma_semaphore, #tpu.memory_space<semaphore_mem>>)
    %dma_wait3A_405 = arith.constant 0 : i32
    %dma_wait3A_406 = arith.constant 0 : i32
    %dma_wait3A_407 = arith.constant 0 : i32
    %dma_wait3A_408 = tpu.memref_slice %arg6[%dma_wait3A_405, %dma_wait3A_406, %dma_wait3A_407] : memref<2x1600x32xf32, #tpu.memory_space<vmem>> -> memref<1x1600x32xf32, #tpu.memory_space<vmem>>
    %dma_wait3A_409 = tpu.memref_squeeze %dma_wait3A_408 : memref<1x1600x32xf32, #tpu.memory_space<vmem>> -> memref<1600x32xf32, #tpu.memory_space<vmem>>
    %dma_wait3A_410 = arith.constant 12800 : i32
    %dma_wait3A_411 = tpu.memref_slice %arg5[%dma_wait3A_410] : memref<25600xi32, #tpu.memory_space<vmem>> -> memref<1600xi32, #tpu.memory_space<vmem>>
    %dma_wait3A_412 = arith.constant 0 : i32
    %dma_wait3A_413 = arith.constant 0 : i32
    %dma_wait3A_414 = tpu.memref_slice %arg2[%dma_wait3A_412, %dma_wait3A_413] : memref<1000000x32xf32, #tpu.memory_space<hbm>> -> memref<1000000x32xf32, #tpu.memory_space<hbm>>
    tpu.wait_indirect_dma semaphore(%arg7 : memref<!tpu.dma_semaphore, #tpu.memory_space<semaphore_mem>>) src(%dma_wait3A_414 : memref<1000000x32xf32, #tpu.memory_space<hbm>>) dst(%dma_wait3A_409 : memref<1600x32xf32, #tpu.memory_space<vmem>>)
    %add3A_415 = arith.constant 12800 : i32
    %add3A_416 = arith.addi %mul3A_2, %add3A_415 : i32
    %dma_start3A_417 = arith.constant 0 : i32
    %dma_start3A_418 = arith.constant 0 : i32
    %dma_start3A_419 = arith.constant 0 : i32
    %dma_start3A_420 = tpu.memref_slice %arg6[%dma_start3A_417, %dma_start3A_418, %dma_start3A_419] : memref<2x1600x32xf32, #tpu.memory_space<vmem>> -> memref<1x1600x32xf32, #tpu.memory_space<vmem>>
    %dma_start3A_421 = tpu.memref_squeeze %dma_start3A_420 : memref<1x1600x32xf32, #tpu.memory_space<vmem>> -> memref<1600x32xf32, #tpu.memory_space<vmem>>
    %dma_start3A_422 = arith.constant 0 : i32
    %dma_start3A_423 = tpu.memref_slice %arg4[%add3A_416, %dma_start3A_422] : memref<819200x32xf32, #tpu.memory_space<hbm>> -> memref<1600x32xf32, #tpu.memory_space<hbm>>
    %dma_start3A_424 = arith.constant 0 : i32
    %dma_start3A_425 = tpu.memref_slice %arg4[%add3A_416, %dma_start3A_424] : memref<819200x32xf32, #tpu.memory_space<hbm>> -> memref<1600x32xf32, #tpu.memory_space<hbm>>
    %dma_start3A_426 = arith.constant 0 : i32
    %dma_start3A_427 = arith.constant 0 : i32
    %dma_start3A_428 = tpu.memref_slice %arg6[%dma_start3A_417, %dma_start3A_426, %dma_start3A_427] : memref<2x1600x32xf32, #tpu.memory_space<vmem>> -> memref<1x1600x32xf32, #tpu.memory_space<vmem>>
    %dma_start3A_429 = tpu.memref_squeeze %dma_start3A_428 : memref<1x1600x32xf32, #tpu.memory_space<vmem>> -> memref<1600x32xf32, #tpu.memory_space<vmem>>
    tpu.enqueue_dma source(%dma_start3A_429 : memref<1600x32xf32, #tpu.memory_space<vmem>>) target(%dma_start3A_425 : memref<1600x32xf32, #tpu.memory_space<hbm>>) target_semaphore(%arg9 : memref<!tpu.dma_semaphore, #tpu.memory_space<semaphore_mem>>)
    %dma_wait3A_430 = arith.constant 0 : i32
    %dma_wait3A_431 = arith.constant 0 : i32
    %dma_wait3A_432 = arith.constant 0 : i32
    %dma_wait3A_433 = tpu.memref_slice %arg6[%dma_wait3A_430, %dma_wait3A_431, %dma_wait3A_432] : memref<2x1600x32xf32, #tpu.memory_space<vmem>> -> memref<1x1600x32xf32, #tpu.memory_space<vmem>>
    %dma_wait3A_434 = tpu.memref_squeeze %dma_wait3A_433 : memref<1x1600x32xf32, #tpu.memory_space<vmem>> -> memref<1600x32xf32, #tpu.memory_space<vmem>>
    %dma_wait3A_435 = arith.constant 0 : i32
    %dma_wait3A_436 = tpu.memref_slice %arg4[%add3A_416, %dma_wait3A_435] : memref<819200x32xf32, #tpu.memory_space<hbm>> -> memref<1600x32xf32, #tpu.memory_space<hbm>>
    %dma_wait3A_437 = arith.constant 0 : i32
    %dma_wait3A_438 = tpu.memref_slice %arg4[%add3A_416, %dma_wait3A_437] : memref<819200x32xf32, #tpu.memory_space<hbm>> -> memref<1600x32xf32, #tpu.memory_space<hbm>>
    %dma_wait3A_439 = arith.constant 0 : i32
    %dma_wait3A_440 = arith.constant 0 : i32
    %dma_wait3A_441 = tpu.memref_slice %arg6[%dma_wait3A_430, %dma_wait3A_439, %dma_wait3A_440] : memref<2x1600x32xf32, #tpu.memory_space<vmem>> -> memref<1x1600x32xf32, #tpu.memory_space<vmem>>
    %dma_wait3A_442 = tpu.memref_squeeze %dma_wait3A_441 : memref<1x1600x32xf32, #tpu.memory_space<vmem>> -> memref<1600x32xf32, #tpu.memory_space<vmem>>
    tpu.wait_dma2 semaphore(%arg9 : memref<!tpu.dma_semaphore, #tpu.memory_space<semaphore_mem>>) src(%dma_wait3A_442 : memref<1600x32xf32, #tpu.memory_space<vmem>>) dst(%dma_wait3A_438 : memref<1600x32xf32, #tpu.memory_space<hbm>>)
    %dma_start3A_443 = arith.constant 0 : i32
    %dma_start3A_444 = arith.constant 0 : i32
    %dma_start3A_445 = arith.constant 0 : i32
    %dma_start3A_446 = tpu.memref_slice %arg6[%dma_start3A_443, %dma_start3A_444, %dma_start3A_445] : memref<2x1600x32xf32, #tpu.memory_space<vmem>> -> memref<1x1600x32xf32, #tpu.memory_space<vmem>>
    %dma_start3A_447 = tpu.memref_squeeze %dma_start3A_446 : memref<1x1600x32xf32, #tpu.memory_space<vmem>> -> memref<1600x32xf32, #tpu.memory_space<vmem>>
    %dma_start3A_448 = arith.constant 16000 : i32
    %dma_start3A_449 = tpu.memref_slice %arg5[%dma_start3A_448] : memref<25600xi32, #tpu.memory_space<vmem>> -> memref<1600xi32, #tpu.memory_space<vmem>>
    %dma_start3A_450 = arith.constant 0 : i32
    %dma_start3A_451 = arith.constant 0 : i32
    %dma_start3A_452 = tpu.memref_slice %arg2[%dma_start3A_450, %dma_start3A_451] : memref<1000000x32xf32, #tpu.memory_space<hbm>> -> memref<1000000x32xf32, #tpu.memory_space<hbm>>
    tpu.enqueue_indirect_dma source(%dma_start3A_452 : memref<1000000x32xf32, #tpu.memory_space<hbm>>) target(%dma_start3A_447 : memref<1600x32xf32, #tpu.memory_space<vmem>>) offsets(%dma_start3A_449 : memref<1600xi32, #tpu.memory_space<vmem>>) semaphore(%arg7 : memref<!tpu.dma_semaphore, #tpu.memory_space<semaphore_mem>>)
    %dma_wait3A_453 = arith.constant 1 : i32
    %dma_wait3A_454 = arith.constant 0 : i32
    %dma_wait3A_455 = arith.constant 0 : i32
    %dma_wait3A_456 = tpu.memref_slice %arg6[%dma_wait3A_453, %dma_wait3A_454, %dma_wait3A_455] : memref<2x1600x32xf32, #tpu.memory_space<vmem>> -> memref<1x1600x32xf32, #tpu.memory_space<vmem>>
    %dma_wait3A_457 = tpu.memref_squeeze %dma_wait3A_456 : memref<1x1600x32xf32, #tpu.memory_space<vmem>> -> memref<1600x32xf32, #tpu.memory_space<vmem>>
    %dma_wait3A_458 = arith.constant 14400 : i32
    %dma_wait3A_459 = tpu.memref_slice %arg5[%dma_wait3A_458] : memref<25600xi32, #tpu.memory_space<vmem>> -> memref<1600xi32, #tpu.memory_space<vmem>>
    %dma_wait3A_460 = arith.constant 0 : i32
    %dma_wait3A_461 = arith.constant 0 : i32
    %dma_wait3A_462 = tpu.memref_slice %arg2[%dma_wait3A_460, %dma_wait3A_461] : memref<1000000x32xf32, #tpu.memory_space<hbm>> -> memref<1000000x32xf32, #tpu.memory_space<hbm>>
    tpu.wait_indirect_dma semaphore(%arg8 : memref<!tpu.dma_semaphore, #tpu.memory_space<semaphore_mem>>) src(%dma_wait3A_462 : memref<1000000x32xf32, #tpu.memory_space<hbm>>) dst(%dma_wait3A_457 : memref<1600x32xf32, #tpu.memory_space<vmem>>)
    %add3A_463 = arith.constant 14400 : i32
    %add3A_464 = arith.addi %mul3A_2, %add3A_463 : i32
    %dma_start3A_465 = arith.constant 1 : i32
    %dma_start3A_466 = arith.constant 0 : i32
    %dma_start3A_467 = arith.constant 0 : i32
    %dma_start3A_468 = tpu.memref_slice %arg6[%dma_start3A_465, %dma_start3A_466, %dma_start3A_467] : memref<2x1600x32xf32, #tpu.memory_space<vmem>> -> memref<1x1600x32xf32, #tpu.memory_space<vmem>>
    %dma_start3A_469 = tpu.memref_squeeze %dma_start3A_468 : memref<1x1600x32xf32, #tpu.memory_space<vmem>> -> memref<1600x32xf32, #tpu.memory_space<vmem>>
    %dma_start3A_470 = arith.constant 0 : i32
    %dma_start3A_471 = tpu.memref_slice %arg4[%add3A_464, %dma_start3A_470] : memref<819200x32xf32, #tpu.memory_space<hbm>> -> memref<1600x32xf32, #tpu.memory_space<hbm>>
    %dma_start3A_472 = arith.constant 0 : i32
    %dma_start3A_473 = tpu.memref_slice %arg4[%add3A_464, %dma_start3A_472] : memref<819200x32xf32, #tpu.memory_space<hbm>> -> memref<1600x32xf32, #tpu.memory_space<hbm>>
    %dma_start3A_474 = arith.constant 0 : i32
    %dma_start3A_475 = arith.constant 0 : i32
    %dma_start3A_476 = tpu.memref_slice %arg6[%dma_start3A_465, %dma_start3A_474, %dma_start3A_475] : memref<2x1600x32xf32, #tpu.memory_space<vmem>> -> memref<1x1600x32xf32, #tpu.memory_space<vmem>>
    %dma_start3A_477 = tpu.memref_squeeze %dma_start3A_476 : memref<1x1600x32xf32, #tpu.memory_space<vmem>> -> memref<1600x32xf32, #tpu.memory_space<vmem>>
    tpu.enqueue_dma source(%dma_start3A_477 : memref<1600x32xf32, #tpu.memory_space<vmem>>) target(%dma_start3A_473 : memref<1600x32xf32, #tpu.memory_space<hbm>>) target_semaphore(%arg10 : memref<!tpu.dma_semaphore, #tpu.memory_space<semaphore_mem>>)
    %dma_wait3A_478 = arith.constant 1 : i32
    %dma_wait3A_479 = arith.constant 0 : i32
    %dma_wait3A_480 = arith.constant 0 : i32
    %dma_wait3A_481 = tpu.memref_slice %arg6[%dma_wait3A_478, %dma_wait3A_479, %dma_wait3A_480] : memref<2x1600x32xf32, #tpu.memory_space<vmem>> -> memref<1x1600x32xf32, #tpu.memory_space<vmem>>
    %dma_wait3A_482 = tpu.memref_squeeze %dma_wait3A_481 : memref<1x1600x32xf32, #tpu.memory_space<vmem>> -> memref<1600x32xf32, #tpu.memory_space<vmem>>
    %dma_wait3A_483 = arith.constant 0 : i32
    %dma_wait3A_484 = tpu.memref_slice %arg4[%add3A_464, %dma_wait3A_483] : memref<819200x32xf32, #tpu.memory_space<hbm>> -> memref<1600x32xf32, #tpu.memory_space<hbm>>
    %dma_wait3A_485 = arith.constant 0 : i32
    %dma_wait3A_486 = tpu.memref_slice %arg4[%add3A_464, %dma_wait3A_485] : memref<819200x32xf32, #tpu.memory_space<hbm>> -> memref<1600x32xf32, #tpu.memory_space<hbm>>
    %dma_wait3A_487 = arith.constant 0 : i32
    %dma_wait3A_488 = arith.constant 0 : i32
    %dma_wait3A_489 = tpu.memref_slice %arg6[%dma_wait3A_478, %dma_wait3A_487, %dma_wait3A_488] : memref<2x1600x32xf32, #tpu.memory_space<vmem>> -> memref<1x1600x32xf32, #tpu.memory_space<vmem>>
    %dma_wait3A_490 = tpu.memref_squeeze %dma_wait3A_489 : memref<1x1600x32xf32, #tpu.memory_space<vmem>> -> memref<1600x32xf32, #tpu.memory_space<vmem>>
    tpu.wait_dma2 semaphore(%arg10 : memref<!tpu.dma_semaphore, #tpu.memory_space<semaphore_mem>>) src(%dma_wait3A_490 : memref<1600x32xf32, #tpu.memory_space<vmem>>) dst(%dma_wait3A_486 : memref<1600x32xf32, #tpu.memory_space<hbm>>)
    %dma_start3A_491 = arith.constant 1 : i32
    %dma_start3A_492 = arith.constant 0 : i32
    %dma_start3A_493 = arith.constant 0 : i32
    %dma_start3A_494 = tpu.memref_slice %arg6[%dma_start3A_491, %dma_start3A_492, %dma_start3A_493] : memref<2x1600x32xf32, #tpu.memory_space<vmem>> -> memref<1x1600x32xf32, #tpu.memory_space<vmem>>
    %dma_start3A_495 = tpu.memref_squeeze %dma_start3A_494 : memref<1x1600x32xf32, #tpu.memory_space<vmem>> -> memref<1600x32xf32, #tpu.memory_space<vmem>>
    %dma_start3A_496 = arith.constant 17600 : i32
    %dma_start3A_497 = tpu.memref_slice %arg5[%dma_start3A_496] : memref<25600xi32, #tpu.memory_space<vmem>> -> memref<1600xi32, #tpu.memory_space<vmem>>
    %dma_start3A_498 = arith.constant 0 : i32
    %dma_start3A_499 = arith.constant 0 : i32
    %dma_start3A_500 = tpu.memref_slice %arg2[%dma_start3A_498, %dma_start3A_499] : memref<1000000x32xf32, #tpu.memory_space<hbm>> -> memref<1000000x32xf32, #tpu.memory_space<hbm>>
    tpu.enqueue_indirect_dma source(%dma_start3A_500 : memref<1000000x32xf32, #tpu.memory_space<hbm>>) target(%dma_start3A_495 : memref<1600x32xf32, #tpu.memory_space<vmem>>) offsets(%dma_start3A_497 : memref<1600xi32, #tpu.memory_space<vmem>>) semaphore(%arg8 : memref<!tpu.dma_semaphore, #tpu.memory_space<semaphore_mem>>)
    %dma_wait3A_501 = arith.constant 0 : i32
    %dma_wait3A_502 = arith.constant 0 : i32
    %dma_wait3A_503 = arith.constant 0 : i32
    %dma_wait3A_504 = tpu.memref_slice %arg6[%dma_wait3A_501, %dma_wait3A_502, %dma_wait3A_503] : memref<2x1600x32xf32, #tpu.memory_space<vmem>> -> memref<1x1600x32xf32, #tpu.memory_space<vmem>>
    %dma_wait3A_505 = tpu.memref_squeeze %dma_wait3A_504 : memref<1x1600x32xf32, #tpu.memory_space<vmem>> -> memref<1600x32xf32, #tpu.memory_space<vmem>>
    %dma_wait3A_506 = arith.constant 16000 : i32
    %dma_wait3A_507 = tpu.memref_slice %arg5[%dma_wait3A_506] : memref<25600xi32, #tpu.memory_space<vmem>> -> memref<1600xi32, #tpu.memory_space<vmem>>
    %dma_wait3A_508 = arith.constant 0 : i32
    %dma_wait3A_509 = arith.constant 0 : i32
    %dma_wait3A_510 = tpu.memref_slice %arg2[%dma_wait3A_508, %dma_wait3A_509] : memref<1000000x32xf32, #tpu.memory_space<hbm>> -> memref<1000000x32xf32, #tpu.memory_space<hbm>>
    tpu.wait_indirect_dma semaphore(%arg7 : memref<!tpu.dma_semaphore, #tpu.memory_space<semaphore_mem>>) src(%dma_wait3A_510 : memref<1000000x32xf32, #tpu.memory_space<hbm>>) dst(%dma_wait3A_505 : memref<1600x32xf32, #tpu.memory_space<vmem>>)
    %add3A_511 = arith.constant 16000 : i32
    %add3A_512 = arith.addi %mul3A_2, %add3A_511 : i32
    %dma_start3A_513 = arith.constant 0 : i32
    %dma_start3A_514 = arith.constant 0 : i32
    %dma_start3A_515 = arith.constant 0 : i32
    %dma_start3A_516 = tpu.memref_slice %arg6[%dma_start3A_513, %dma_start3A_514, %dma_start3A_515] : memref<2x1600x32xf32, #tpu.memory_space<vmem>> -> memref<1x1600x32xf32, #tpu.memory_space<vmem>>
    %dma_start3A_517 = tpu.memref_squeeze %dma_start3A_516 : memref<1x1600x32xf32, #tpu.memory_space<vmem>> -> memref<1600x32xf32, #tpu.memory_space<vmem>>
    %dma_start3A_518 = arith.constant 0 : i32
    %dma_start3A_519 = tpu.memref_slice %arg4[%add3A_512, %dma_start3A_518] : memref<819200x32xf32, #tpu.memory_space<hbm>> -> memref<1600x32xf32, #tpu.memory_space<hbm>>
    %dma_start3A_520 = arith.constant 0 : i32
    %dma_start3A_521 = tpu.memref_slice %arg4[%add3A_512, %dma_start3A_520] : memref<819200x32xf32, #tpu.memory_space<hbm>> -> memref<1600x32xf32, #tpu.memory_space<hbm>>
    %dma_start3A_522 = arith.constant 0 : i32
    %dma_start3A_523 = arith.constant 0 : i32
    %dma_start3A_524 = tpu.memref_slice %arg6[%dma_start3A_513, %dma_start3A_522, %dma_start3A_523] : memref<2x1600x32xf32, #tpu.memory_space<vmem>> -> memref<1x1600x32xf32, #tpu.memory_space<vmem>>
    %dma_start3A_525 = tpu.memref_squeeze %dma_start3A_524 : memref<1x1600x32xf32, #tpu.memory_space<vmem>> -> memref<1600x32xf32, #tpu.memory_space<vmem>>
    tpu.enqueue_dma source(%dma_start3A_525 : memref<1600x32xf32, #tpu.memory_space<vmem>>) target(%dma_start3A_521 : memref<1600x32xf32, #tpu.memory_space<hbm>>) target_semaphore(%arg9 : memref<!tpu.dma_semaphore, #tpu.memory_space<semaphore_mem>>)
    %dma_wait3A_526 = arith.constant 0 : i32
    %dma_wait3A_527 = arith.constant 0 : i32
    %dma_wait3A_528 = arith.constant 0 : i32
    %dma_wait3A_529 = tpu.memref_slice %arg6[%dma_wait3A_526, %dma_wait3A_527, %dma_wait3A_528] : memref<2x1600x32xf32, #tpu.memory_space<vmem>> -> memref<1x1600x32xf32, #tpu.memory_space<vmem>>
    %dma_wait3A_530 = tpu.memref_squeeze %dma_wait3A_529 : memref<1x1600x32xf32, #tpu.memory_space<vmem>> -> memref<1600x32xf32, #tpu.memory_space<vmem>>
    %dma_wait3A_531 = arith.constant 0 : i32
    %dma_wait3A_532 = tpu.memref_slice %arg4[%add3A_512, %dma_wait3A_531] : memref<819200x32xf32, #tpu.memory_space<hbm>> -> memref<1600x32xf32, #tpu.memory_space<hbm>>
    %dma_wait3A_533 = arith.constant 0 : i32
    %dma_wait3A_534 = tpu.memref_slice %arg4[%add3A_512, %dma_wait3A_533] : memref<819200x32xf32, #tpu.memory_space<hbm>> -> memref<1600x32xf32, #tpu.memory_space<hbm>>
    %dma_wait3A_535 = arith.constant 0 : i32
    %dma_wait3A_536 = arith.constant 0 : i32
    %dma_wait3A_537 = tpu.memref_slice %arg6[%dma_wait3A_526, %dma_wait3A_535, %dma_wait3A_536] : memref<2x1600x32xf32, #tpu.memory_space<vmem>> -> memref<1x1600x32xf32, #tpu.memory_space<vmem>>
    %dma_wait3A_538 = tpu.memref_squeeze %dma_wait3A_537 : memref<1x1600x32xf32, #tpu.memory_space<vmem>> -> memref<1600x32xf32, #tpu.memory_space<vmem>>
    tpu.wait_dma2 semaphore(%arg9 : memref<!tpu.dma_semaphore, #tpu.memory_space<semaphore_mem>>) src(%dma_wait3A_538 : memref<1600x32xf32, #tpu.memory_space<vmem>>) dst(%dma_wait3A_534 : memref<1600x32xf32, #tpu.memory_space<hbm>>)
    %dma_start3A_539 = arith.constant 0 : i32
    %dma_start3A_540 = arith.constant 0 : i32
    %dma_start3A_541 = arith.constant 0 : i32
    %dma_start3A_542 = tpu.memref_slice %arg6[%dma_start3A_539, %dma_start3A_540, %dma_start3A_541] : memref<2x1600x32xf32, #tpu.memory_space<vmem>> -> memref<1x1600x32xf32, #tpu.memory_space<vmem>>
    %dma_start3A_543 = tpu.memref_squeeze %dma_start3A_542 : memref<1x1600x32xf32, #tpu.memory_space<vmem>> -> memref<1600x32xf32, #tpu.memory_space<vmem>>
    %dma_start3A_544 = arith.constant 19200 : i32
    %dma_start3A_545 = tpu.memref_slice %arg5[%dma_start3A_544] : memref<25600xi32, #tpu.memory_space<vmem>> -> memref<1600xi32, #tpu.memory_space<vmem>>
    %dma_start3A_546 = arith.constant 0 : i32
    %dma_start3A_547 = arith.constant 0 : i32
    %dma_start3A_548 = tpu.memref_slice %arg2[%dma_start3A_546, %dma_start3A_547] : memref<1000000x32xf32, #tpu.memory_space<hbm>> -> memref<1000000x32xf32, #tpu.memory_space<hbm>>
    tpu.enqueue_indirect_dma source(%dma_start3A_548 : memref<1000000x32xf32, #tpu.memory_space<hbm>>) target(%dma_start3A_543 : memref<1600x32xf32, #tpu.memory_space<vmem>>) offsets(%dma_start3A_545 : memref<1600xi32, #tpu.memory_space<vmem>>) semaphore(%arg7 : memref<!tpu.dma_semaphore, #tpu.memory_space<semaphore_mem>>)
    %dma_wait3A_549 = arith.constant 1 : i32
    %dma_wait3A_550 = arith.constant 0 : i32
    %dma_wait3A_551 = arith.constant 0 : i32
    %dma_wait3A_552 = tpu.memref_slice %arg6[%dma_wait3A_549, %dma_wait3A_550, %dma_wait3A_551] : memref<2x1600x32xf32, #tpu.memory_space<vmem>> -> memref<1x1600x32xf32, #tpu.memory_space<vmem>>
    %dma_wait3A_553 = tpu.memref_squeeze %dma_wait3A_552 : memref<1x1600x32xf32, #tpu.memory_space<vmem>> -> memref<1600x32xf32, #tpu.memory_space<vmem>>
    %dma_wait3A_554 = arith.constant 17600 : i32
    %dma_wait3A_555 = tpu.memref_slice %arg5[%dma_wait3A_554] : memref<25600xi32, #tpu.memory_space<vmem>> -> memref<1600xi32, #tpu.memory_space<vmem>>
    %dma_wait3A_556 = arith.constant 0 : i32
    %dma_wait3A_557 = arith.constant 0 : i32
    %dma_wait3A_558 = tpu.memref_slice %arg2[%dma_wait3A_556, %dma_wait3A_557] : memref<1000000x32xf32, #tpu.memory_space<hbm>> -> memref<1000000x32xf32, #tpu.memory_space<hbm>>
    tpu.wait_indirect_dma semaphore(%arg8 : memref<!tpu.dma_semaphore, #tpu.memory_space<semaphore_mem>>) src(%dma_wait3A_558 : memref<1000000x32xf32, #tpu.memory_space<hbm>>) dst(%dma_wait3A_553 : memref<1600x32xf32, #tpu.memory_space<vmem>>)
    %add3A_559 = arith.constant 17600 : i32
    %add3A_560 = arith.addi %mul3A_2, %add3A_559 : i32
    %dma_start3A_561 = arith.constant 1 : i32
    %dma_start3A_562 = arith.constant 0 : i32
    %dma_start3A_563 = arith.constant 0 : i32
    %dma_start3A_564 = tpu.memref_slice %arg6[%dma_start3A_561, %dma_start3A_562, %dma_start3A_563] : memref<2x1600x32xf32, #tpu.memory_space<vmem>> -> memref<1x1600x32xf32, #tpu.memory_space<vmem>>
    %dma_start3A_565 = tpu.memref_squeeze %dma_start3A_564 : memref<1x1600x32xf32, #tpu.memory_space<vmem>> -> memref<1600x32xf32, #tpu.memory_space<vmem>>
    %dma_start3A_566 = arith.constant 0 : i32
    %dma_start3A_567 = tpu.memref_slice %arg4[%add3A_560, %dma_start3A_566] : memref<819200x32xf32, #tpu.memory_space<hbm>> -> memref<1600x32xf32, #tpu.memory_space<hbm>>
    %dma_start3A_568 = arith.constant 0 : i32
    %dma_start3A_569 = tpu.memref_slice %arg4[%add3A_560, %dma_start3A_568] : memref<819200x32xf32, #tpu.memory_space<hbm>> -> memref<1600x32xf32, #tpu.memory_space<hbm>>
    %dma_start3A_570 = arith.constant 0 : i32
    %dma_start3A_571 = arith.constant 0 : i32
    %dma_start3A_572 = tpu.memref_slice %arg6[%dma_start3A_561, %dma_start3A_570, %dma_start3A_571] : memref<2x1600x32xf32, #tpu.memory_space<vmem>> -> memref<1x1600x32xf32, #tpu.memory_space<vmem>>
    %dma_start3A_573 = tpu.memref_squeeze %dma_start3A_572 : memref<1x1600x32xf32, #tpu.memory_space<vmem>> -> memref<1600x32xf32, #tpu.memory_space<vmem>>
    tpu.enqueue_dma source(%dma_start3A_573 : memref<1600x32xf32, #tpu.memory_space<vmem>>) target(%dma_start3A_569 : memref<1600x32xf32, #tpu.memory_space<hbm>>) target_semaphore(%arg10 : memref<!tpu.dma_semaphore, #tpu.memory_space<semaphore_mem>>)
    %dma_wait3A_574 = arith.constant 1 : i32
    %dma_wait3A_575 = arith.constant 0 : i32
    %dma_wait3A_576 = arith.constant 0 : i32
    %dma_wait3A_577 = tpu.memref_slice %arg6[%dma_wait3A_574, %dma_wait3A_575, %dma_wait3A_576] : memref<2x1600x32xf32, #tpu.memory_space<vmem>> -> memref<1x1600x32xf32, #tpu.memory_space<vmem>>
    %dma_wait3A_578 = tpu.memref_squeeze %dma_wait3A_577 : memref<1x1600x32xf32, #tpu.memory_space<vmem>> -> memref<1600x32xf32, #tpu.memory_space<vmem>>
    %dma_wait3A_579 = arith.constant 0 : i32
    %dma_wait3A_580 = tpu.memref_slice %arg4[%add3A_560, %dma_wait3A_579] : memref<819200x32xf32, #tpu.memory_space<hbm>> -> memref<1600x32xf32, #tpu.memory_space<hbm>>
    %dma_wait3A_581 = arith.constant 0 : i32
    %dma_wait3A_582 = tpu.memref_slice %arg4[%add3A_560, %dma_wait3A_581] : memref<819200x32xf32, #tpu.memory_space<hbm>> -> memref<1600x32xf32, #tpu.memory_space<hbm>>
    %dma_wait3A_583 = arith.constant 0 : i32
    %dma_wait3A_584 = arith.constant 0 : i32
    %dma_wait3A_585 = tpu.memref_slice %arg6[%dma_wait3A_574, %dma_wait3A_583, %dma_wait3A_584] : memref<2x1600x32xf32, #tpu.memory_space<vmem>> -> memref<1x1600x32xf32, #tpu.memory_space<vmem>>
    %dma_wait3A_586 = tpu.memref_squeeze %dma_wait3A_585 : memref<1x1600x32xf32, #tpu.memory_space<vmem>> -> memref<1600x32xf32, #tpu.memory_space<vmem>>
    tpu.wait_dma2 semaphore(%arg10 : memref<!tpu.dma_semaphore, #tpu.memory_space<semaphore_mem>>) src(%dma_wait3A_586 : memref<1600x32xf32, #tpu.memory_space<vmem>>) dst(%dma_wait3A_582 : memref<1600x32xf32, #tpu.memory_space<hbm>>)
    %dma_start3A_587 = arith.constant 1 : i32
    %dma_start3A_588 = arith.constant 0 : i32
    %dma_start3A_589 = arith.constant 0 : i32
    %dma_start3A_590 = tpu.memref_slice %arg6[%dma_start3A_587, %dma_start3A_588, %dma_start3A_589] : memref<2x1600x32xf32, #tpu.memory_space<vmem>> -> memref<1x1600x32xf32, #tpu.memory_space<vmem>>
    %dma_start3A_591 = tpu.memref_squeeze %dma_start3A_590 : memref<1x1600x32xf32, #tpu.memory_space<vmem>> -> memref<1600x32xf32, #tpu.memory_space<vmem>>
    %dma_start3A_592 = arith.constant 20800 : i32
    %dma_start3A_593 = tpu.memref_slice %arg5[%dma_start3A_592] : memref<25600xi32, #tpu.memory_space<vmem>> -> memref<1600xi32, #tpu.memory_space<vmem>>
    %dma_start3A_594 = arith.constant 0 : i32
    %dma_start3A_595 = arith.constant 0 : i32
    %dma_start3A_596 = tpu.memref_slice %arg2[%dma_start3A_594, %dma_start3A_595] : memref<1000000x32xf32, #tpu.memory_space<hbm>> -> memref<1000000x32xf32, #tpu.memory_space<hbm>>
    tpu.enqueue_indirect_dma source(%dma_start3A_596 : memref<1000000x32xf32, #tpu.memory_space<hbm>>) target(%dma_start3A_591 : memref<1600x32xf32, #tpu.memory_space<vmem>>) offsets(%dma_start3A_593 : memref<1600xi32, #tpu.memory_space<vmem>>) semaphore(%arg8 : memref<!tpu.dma_semaphore, #tpu.memory_space<semaphore_mem>>)
    %dma_wait3A_597 = arith.constant 0 : i32
    %dma_wait3A_598 = arith.constant 0 : i32
    %dma_wait3A_599 = arith.constant 0 : i32
    %dma_wait3A_600 = tpu.memref_slice %arg6[%dma_wait3A_597, %dma_wait3A_598, %dma_wait3A_599] : memref<2x1600x32xf32, #tpu.memory_space<vmem>> -> memref<1x1600x32xf32, #tpu.memory_space<vmem>>
    %dma_wait3A_601 = tpu.memref_squeeze %dma_wait3A_600 : memref<1x1600x32xf32, #tpu.memory_space<vmem>> -> memref<1600x32xf32, #tpu.memory_space<vmem>>
    %dma_wait3A_602 = arith.constant 19200 : i32
    %dma_wait3A_603 = tpu.memref_slice %arg5[%dma_wait3A_602] : memref<25600xi32, #tpu.memory_space<vmem>> -> memref<1600xi32, #tpu.memory_space<vmem>>
    %dma_wait3A_604 = arith.constant 0 : i32
    %dma_wait3A_605 = arith.constant 0 : i32
    %dma_wait3A_606 = tpu.memref_slice %arg2[%dma_wait3A_604, %dma_wait3A_605] : memref<1000000x32xf32, #tpu.memory_space<hbm>> -> memref<1000000x32xf32, #tpu.memory_space<hbm>>
    tpu.wait_indirect_dma semaphore(%arg7 : memref<!tpu.dma_semaphore, #tpu.memory_space<semaphore_mem>>) src(%dma_wait3A_606 : memref<1000000x32xf32, #tpu.memory_space<hbm>>) dst(%dma_wait3A_601 : memref<1600x32xf32, #tpu.memory_space<vmem>>)
    %add3A_607 = arith.constant 19200 : i32
    %add3A_608 = arith.addi %mul3A_2, %add3A_607 : i32
    %dma_start3A_609 = arith.constant 0 : i32
    %dma_start3A_610 = arith.constant 0 : i32
    %dma_start3A_611 = arith.constant 0 : i32
    %dma_start3A_612 = tpu.memref_slice %arg6[%dma_start3A_609, %dma_start3A_610, %dma_start3A_611] : memref<2x1600x32xf32, #tpu.memory_space<vmem>> -> memref<1x1600x32xf32, #tpu.memory_space<vmem>>
    %dma_start3A_613 = tpu.memref_squeeze %dma_start3A_612 : memref<1x1600x32xf32, #tpu.memory_space<vmem>> -> memref<1600x32xf32, #tpu.memory_space<vmem>>
    %dma_start3A_614 = arith.constant 0 : i32
    %dma_start3A_615 = tpu.memref_slice %arg4[%add3A_608, %dma_start3A_614] : memref<819200x32xf32, #tpu.memory_space<hbm>> -> memref<1600x32xf32, #tpu.memory_space<hbm>>
    %dma_start3A_616 = arith.constant 0 : i32
    %dma_start3A_617 = tpu.memref_slice %arg4[%add3A_608, %dma_start3A_616] : memref<819200x32xf32, #tpu.memory_space<hbm>> -> memref<1600x32xf32, #tpu.memory_space<hbm>>
    %dma_start3A_618 = arith.constant 0 : i32
    %dma_start3A_619 = arith.constant 0 : i32
    %dma_start3A_620 = tpu.memref_slice %arg6[%dma_start3A_609, %dma_start3A_618, %dma_start3A_619] : memref<2x1600x32xf32, #tpu.memory_space<vmem>> -> memref<1x1600x32xf32, #tpu.memory_space<vmem>>
    %dma_start3A_621 = tpu.memref_squeeze %dma_start3A_620 : memref<1x1600x32xf32, #tpu.memory_space<vmem>> -> memref<1600x32xf32, #tpu.memory_space<vmem>>
    tpu.enqueue_dma source(%dma_start3A_621 : memref<1600x32xf32, #tpu.memory_space<vmem>>) target(%dma_start3A_617 : memref<1600x32xf32, #tpu.memory_space<hbm>>) target_semaphore(%arg9 : memref<!tpu.dma_semaphore, #tpu.memory_space<semaphore_mem>>)
    %dma_wait3A_622 = arith.constant 0 : i32
    %dma_wait3A_623 = arith.constant 0 : i32
    %dma_wait3A_624 = arith.constant 0 : i32
    %dma_wait3A_625 = tpu.memref_slice %arg6[%dma_wait3A_622, %dma_wait3A_623, %dma_wait3A_624] : memref<2x1600x32xf32, #tpu.memory_space<vmem>> -> memref<1x1600x32xf32, #tpu.memory_space<vmem>>
    %dma_wait3A_626 = tpu.memref_squeeze %dma_wait3A_625 : memref<1x1600x32xf32, #tpu.memory_space<vmem>> -> memref<1600x32xf32, #tpu.memory_space<vmem>>
    %dma_wait3A_627 = arith.constant 0 : i32
    %dma_wait3A_628 = tpu.memref_slice %arg4[%add3A_608, %dma_wait3A_627] : memref<819200x32xf32, #tpu.memory_space<hbm>> -> memref<1600x32xf32, #tpu.memory_space<hbm>>
    %dma_wait3A_629 = arith.constant 0 : i32
    %dma_wait3A_630 = tpu.memref_slice %arg4[%add3A_608, %dma_wait3A_629] : memref<819200x32xf32, #tpu.memory_space<hbm>> -> memref<1600x32xf32, #tpu.memory_space<hbm>>
    %dma_wait3A_631 = arith.constant 0 : i32
    %dma_wait3A_632 = arith.constant 0 : i32
    %dma_wait3A_633 = tpu.memref_slice %arg6[%dma_wait3A_622, %dma_wait3A_631, %dma_wait3A_632] : memref<2x1600x32xf32, #tpu.memory_space<vmem>> -> memref<1x1600x32xf32, #tpu.memory_space<vmem>>
    %dma_wait3A_634 = tpu.memref_squeeze %dma_wait3A_633 : memref<1x1600x32xf32, #tpu.memory_space<vmem>> -> memref<1600x32xf32, #tpu.memory_space<vmem>>
    tpu.wait_dma2 semaphore(%arg9 : memref<!tpu.dma_semaphore, #tpu.memory_space<semaphore_mem>>) src(%dma_wait3A_634 : memref<1600x32xf32, #tpu.memory_space<vmem>>) dst(%dma_wait3A_630 : memref<1600x32xf32, #tpu.memory_space<hbm>>)
    %dma_start3A_635 = arith.constant 0 : i32
    %dma_start3A_636 = arith.constant 0 : i32
    %dma_start3A_637 = arith.constant 0 : i32
    %dma_start3A_638 = tpu.memref_slice %arg6[%dma_start3A_635, %dma_start3A_636, %dma_start3A_637] : memref<2x1600x32xf32, #tpu.memory_space<vmem>> -> memref<1x1600x32xf32, #tpu.memory_space<vmem>>
    %dma_start3A_639 = tpu.memref_squeeze %dma_start3A_638 : memref<1x1600x32xf32, #tpu.memory_space<vmem>> -> memref<1600x32xf32, #tpu.memory_space<vmem>>
    %dma_start3A_640 = arith.constant 22400 : i32
    %dma_start3A_641 = tpu.memref_slice %arg5[%dma_start3A_640] : memref<25600xi32, #tpu.memory_space<vmem>> -> memref<1600xi32, #tpu.memory_space<vmem>>
    %dma_start3A_642 = arith.constant 0 : i32
    %dma_start3A_643 = arith.constant 0 : i32
    %dma_start3A_644 = tpu.memref_slice %arg2[%dma_start3A_642, %dma_start3A_643] : memref<1000000x32xf32, #tpu.memory_space<hbm>> -> memref<1000000x32xf32, #tpu.memory_space<hbm>>
    tpu.enqueue_indirect_dma source(%dma_start3A_644 : memref<1000000x32xf32, #tpu.memory_space<hbm>>) target(%dma_start3A_639 : memref<1600x32xf32, #tpu.memory_space<vmem>>) offsets(%dma_start3A_641 : memref<1600xi32, #tpu.memory_space<vmem>>) semaphore(%arg7 : memref<!tpu.dma_semaphore, #tpu.memory_space<semaphore_mem>>)
    %dma_wait3A_645 = arith.constant 1 : i32
    %dma_wait3A_646 = arith.constant 0 : i32
    %dma_wait3A_647 = arith.constant 0 : i32
    %dma_wait3A_648 = tpu.memref_slice %arg6[%dma_wait3A_645, %dma_wait3A_646, %dma_wait3A_647] : memref<2x1600x32xf32, #tpu.memory_space<vmem>> -> memref<1x1600x32xf32, #tpu.memory_space<vmem>>
    %dma_wait3A_649 = tpu.memref_squeeze %dma_wait3A_648 : memref<1x1600x32xf32, #tpu.memory_space<vmem>> -> memref<1600x32xf32, #tpu.memory_space<vmem>>
    %dma_wait3A_650 = arith.constant 20800 : i32
    %dma_wait3A_651 = tpu.memref_slice %arg5[%dma_wait3A_650] : memref<25600xi32, #tpu.memory_space<vmem>> -> memref<1600xi32, #tpu.memory_space<vmem>>
    %dma_wait3A_652 = arith.constant 0 : i32
    %dma_wait3A_653 = arith.constant 0 : i32
    %dma_wait3A_654 = tpu.memref_slice %arg2[%dma_wait3A_652, %dma_wait3A_653] : memref<1000000x32xf32, #tpu.memory_space<hbm>> -> memref<1000000x32xf32, #tpu.memory_space<hbm>>
    tpu.wait_indirect_dma semaphore(%arg8 : memref<!tpu.dma_semaphore, #tpu.memory_space<semaphore_mem>>) src(%dma_wait3A_654 : memref<1000000x32xf32, #tpu.memory_space<hbm>>) dst(%dma_wait3A_649 : memref<1600x32xf32, #tpu.memory_space<vmem>>)
    %add3A_655 = arith.constant 20800 : i32
    %add3A_656 = arith.addi %mul3A_2, %add3A_655 : i32
    %dma_start3A_657 = arith.constant 1 : i32
    %dma_start3A_658 = arith.constant 0 : i32
    %dma_start3A_659 = arith.constant 0 : i32
    %dma_start3A_660 = tpu.memref_slice %arg6[%dma_start3A_657, %dma_start3A_658, %dma_start3A_659] : memref<2x1600x32xf32, #tpu.memory_space<vmem>> -> memref<1x1600x32xf32, #tpu.memory_space<vmem>>
    %dma_start3A_661 = tpu.memref_squeeze %dma_start3A_660 : memref<1x1600x32xf32, #tpu.memory_space<vmem>> -> memref<1600x32xf32, #tpu.memory_space<vmem>>
    %dma_start3A_662 = arith.constant 0 : i32
    %dma_start3A_663 = tpu.memref_slice %arg4[%add3A_656, %dma_start3A_662] : memref<819200x32xf32, #tpu.memory_space<hbm>> -> memref<1600x32xf32, #tpu.memory_space<hbm>>
    %dma_start3A_664 = arith.constant 0 : i32
    %dma_start3A_665 = tpu.memref_slice %arg4[%add3A_656, %dma_start3A_664] : memref<819200x32xf32, #tpu.memory_space<hbm>> -> memref<1600x32xf32, #tpu.memory_space<hbm>>
    %dma_start3A_666 = arith.constant 0 : i32
    %dma_start3A_667 = arith.constant 0 : i32
    %dma_start3A_668 = tpu.memref_slice %arg6[%dma_start3A_657, %dma_start3A_666, %dma_start3A_667] : memref<2x1600x32xf32, #tpu.memory_space<vmem>> -> memref<1x1600x32xf32, #tpu.memory_space<vmem>>
    %dma_start3A_669 = tpu.memref_squeeze %dma_start3A_668 : memref<1x1600x32xf32, #tpu.memory_space<vmem>> -> memref<1600x32xf32, #tpu.memory_space<vmem>>
    tpu.enqueue_dma source(%dma_start3A_669 : memref<1600x32xf32, #tpu.memory_space<vmem>>) target(%dma_start3A_665 : memref<1600x32xf32, #tpu.memory_space<hbm>>) target_semaphore(%arg10 : memref<!tpu.dma_semaphore, #tpu.memory_space<semaphore_mem>>)
    %dma_wait3A_670 = arith.constant 1 : i32
    %dma_wait3A_671 = arith.constant 0 : i32
    %dma_wait3A_672 = arith.constant 0 : i32
    %dma_wait3A_673 = tpu.memref_slice %arg6[%dma_wait3A_670, %dma_wait3A_671, %dma_wait3A_672] : memref<2x1600x32xf32, #tpu.memory_space<vmem>> -> memref<1x1600x32xf32, #tpu.memory_space<vmem>>
    %dma_wait3A_674 = tpu.memref_squeeze %dma_wait3A_673 : memref<1x1600x32xf32, #tpu.memory_space<vmem>> -> memref<1600x32xf32, #tpu.memory_space<vmem>>
    %dma_wait3A_675 = arith.constant 0 : i32
    %dma_wait3A_676 = tpu.memref_slice %arg4[%add3A_656, %dma_wait3A_675] : memref<819200x32xf32, #tpu.memory_space<hbm>> -> memref<1600x32xf32, #tpu.memory_space<hbm>>
    %dma_wait3A_677 = arith.constant 0 : i32
    %dma_wait3A_678 = tpu.memref_slice %arg4[%add3A_656, %dma_wait3A_677] : memref<819200x32xf32, #tpu.memory_space<hbm>> -> memref<1600x32xf32, #tpu.memory_space<hbm>>
    %dma_wait3A_679 = arith.constant 0 : i32
    %dma_wait3A_680 = arith.constant 0 : i32
    %dma_wait3A_681 = tpu.memref_slice %arg6[%dma_wait3A_670, %dma_wait3A_679, %dma_wait3A_680] : memref<2x1600x32xf32, #tpu.memory_space<vmem>> -> memref<1x1600x32xf32, #tpu.memory_space<vmem>>
    %dma_wait3A_682 = tpu.memref_squeeze %dma_wait3A_681 : memref<1x1600x32xf32, #tpu.memory_space<vmem>> -> memref<1600x32xf32, #tpu.memory_space<vmem>>
    tpu.wait_dma2 semaphore(%arg10 : memref<!tpu.dma_semaphore, #tpu.memory_space<semaphore_mem>>) src(%dma_wait3A_682 : memref<1600x32xf32, #tpu.memory_space<vmem>>) dst(%dma_wait3A_678 : memref<1600x32xf32, #tpu.memory_space<hbm>>)
    %dma_start3A_683 = arith.constant 1 : i32
    %dma_start3A_684 = arith.constant 0 : i32
    %dma_start3A_685 = arith.constant 0 : i32
    %dma_start3A_686 = tpu.memref_slice %arg6[%dma_start3A_683, %dma_start3A_684, %dma_start3A_685] : memref<2x1600x32xf32, #tpu.memory_space<vmem>> -> memref<1x1600x32xf32, #tpu.memory_space<vmem>>
    %dma_start3A_687 = tpu.memref_squeeze %dma_start3A_686 : memref<1x1600x32xf32, #tpu.memory_space<vmem>> -> memref<1600x32xf32, #tpu.memory_space<vmem>>
    %dma_start3A_688 = arith.constant 24000 : i32
    %dma_start3A_689 = tpu.memref_slice %arg5[%dma_start3A_688] : memref<25600xi32, #tpu.memory_space<vmem>> -> memref<1600xi32, #tpu.memory_space<vmem>>
    %dma_start3A_690 = arith.constant 0 : i32
    %dma_start3A_691 = arith.constant 0 : i32
    %dma_start3A_692 = tpu.memref_slice %arg2[%dma_start3A_690, %dma_start3A_691] : memref<1000000x32xf32, #tpu.memory_space<hbm>> -> memref<1000000x32xf32, #tpu.memory_space<hbm>>
    tpu.enqueue_indirect_dma source(%dma_start3A_692 : memref<1000000x32xf32, #tpu.memory_space<hbm>>) target(%dma_start3A_687 : memref<1600x32xf32, #tpu.memory_space<vmem>>) offsets(%dma_start3A_689 : memref<1600xi32, #tpu.memory_space<vmem>>) semaphore(%arg8 : memref<!tpu.dma_semaphore, #tpu.memory_space<semaphore_mem>>)
    %dma_wait3A_693 = arith.constant 0 : i32
    %dma_wait3A_694 = arith.constant 0 : i32
    %dma_wait3A_695 = arith.constant 0 : i32
    %dma_wait3A_696 = tpu.memref_slice %arg6[%dma_wait3A_693, %dma_wait3A_694, %dma_wait3A_695] : memref<2x1600x32xf32, #tpu.memory_space<vmem>> -> memref<1x1600x32xf32, #tpu.memory_space<vmem>>
    %dma_wait3A_697 = tpu.memref_squeeze %dma_wait3A_696 : memref<1x1600x32xf32, #tpu.memory_space<vmem>> -> memref<1600x32xf32, #tpu.memory_space<vmem>>
    %dma_wait3A_698 = arith.constant 22400 : i32
    %dma_wait3A_699 = tpu.memref_slice %arg5[%dma_wait3A_698] : memref<25600xi32, #tpu.memory_space<vmem>> -> memref<1600xi32, #tpu.memory_space<vmem>>
    %dma_wait3A_700 = arith.constant 0 : i32
    %dma_wait3A_701 = arith.constant 0 : i32
    %dma_wait3A_702 = tpu.memref_slice %arg2[%dma_wait3A_700, %dma_wait3A_701] : memref<1000000x32xf32, #tpu.memory_space<hbm>> -> memref<1000000x32xf32, #tpu.memory_space<hbm>>
    tpu.wait_indirect_dma semaphore(%arg7 : memref<!tpu.dma_semaphore, #tpu.memory_space<semaphore_mem>>) src(%dma_wait3A_702 : memref<1000000x32xf32, #tpu.memory_space<hbm>>) dst(%dma_wait3A_697 : memref<1600x32xf32, #tpu.memory_space<vmem>>)
    %add3A_703 = arith.constant 22400 : i32
    %add3A_704 = arith.addi %mul3A_2, %add3A_703 : i32
    %dma_start3A_705 = arith.constant 0 : i32
    %dma_start3A_706 = arith.constant 0 : i32
    %dma_start3A_707 = arith.constant 0 : i32
    %dma_start3A_708 = tpu.memref_slice %arg6[%dma_start3A_705, %dma_start3A_706, %dma_start3A_707] : memref<2x1600x32xf32, #tpu.memory_space<vmem>> -> memref<1x1600x32xf32, #tpu.memory_space<vmem>>
    %dma_start3A_709 = tpu.memref_squeeze %dma_start3A_708 : memref<1x1600x32xf32, #tpu.memory_space<vmem>> -> memref<1600x32xf32, #tpu.memory_space<vmem>>
    %dma_start3A_710 = arith.constant 0 : i32
    %dma_start3A_711 = tpu.memref_slice %arg4[%add3A_704, %dma_start3A_710] : memref<819200x32xf32, #tpu.memory_space<hbm>> -> memref<1600x32xf32, #tpu.memory_space<hbm>>
    %dma_start3A_712 = arith.constant 0 : i32
    %dma_start3A_713 = tpu.memref_slice %arg4[%add3A_704, %dma_start3A_712] : memref<819200x32xf32, #tpu.memory_space<hbm>> -> memref<1600x32xf32, #tpu.memory_space<hbm>>
    %dma_start3A_714 = arith.constant 0 : i32
    %dma_start3A_715 = arith.constant 0 : i32
    %dma_start3A_716 = tpu.memref_slice %arg6[%dma_start3A_705, %dma_start3A_714, %dma_start3A_715] : memref<2x1600x32xf32, #tpu.memory_space<vmem>> -> memref<1x1600x32xf32, #tpu.memory_space<vmem>>
    %dma_start3A_717 = tpu.memref_squeeze %dma_start3A_716 : memref<1x1600x32xf32, #tpu.memory_space<vmem>> -> memref<1600x32xf32, #tpu.memory_space<vmem>>
    tpu.enqueue_dma source(%dma_start3A_717 : memref<1600x32xf32, #tpu.memory_space<vmem>>) target(%dma_start3A_713 : memref<1600x32xf32, #tpu.memory_space<hbm>>) target_semaphore(%arg9 : memref<!tpu.dma_semaphore, #tpu.memory_space<semaphore_mem>>)
    %dma_wait3A_718 = arith.constant 1 : i32
    %dma_wait3A_719 = arith.constant 0 : i32
    %dma_wait3A_720 = arith.constant 0 : i32
    %dma_wait3A_721 = tpu.memref_slice %arg6[%dma_wait3A_718, %dma_wait3A_719, %dma_wait3A_720] : memref<2x1600x32xf32, #tpu.memory_space<vmem>> -> memref<1x1600x32xf32, #tpu.memory_space<vmem>>
    %dma_wait3A_722 = tpu.memref_squeeze %dma_wait3A_721 : memref<1x1600x32xf32, #tpu.memory_space<vmem>> -> memref<1600x32xf32, #tpu.memory_space<vmem>>
    %dma_wait3A_723 = arith.constant 24000 : i32
    %dma_wait3A_724 = tpu.memref_slice %arg5[%dma_wait3A_723] : memref<25600xi32, #tpu.memory_space<vmem>> -> memref<1600xi32, #tpu.memory_space<vmem>>
    %dma_wait3A_725 = arith.constant 0 : i32
    %dma_wait3A_726 = arith.constant 0 : i32
    %dma_wait3A_727 = tpu.memref_slice %arg2[%dma_wait3A_725, %dma_wait3A_726] : memref<1000000x32xf32, #tpu.memory_space<hbm>> -> memref<1000000x32xf32, #tpu.memory_space<hbm>>
    tpu.wait_indirect_dma semaphore(%arg8 : memref<!tpu.dma_semaphore, #tpu.memory_space<semaphore_mem>>) src(%dma_wait3A_727 : memref<1000000x32xf32, #tpu.memory_space<hbm>>) dst(%dma_wait3A_722 : memref<1600x32xf32, #tpu.memory_space<vmem>>)
    %add3A_728 = arith.constant 24000 : i32
    %add3A_729 = arith.addi %mul3A_2, %add3A_728 : i32
    %dma_start3A_730 = arith.constant 1 : i32
    %dma_start3A_731 = arith.constant 0 : i32
    %dma_start3A_732 = arith.constant 0 : i32
    %dma_start3A_733 = tpu.memref_slice %arg6[%dma_start3A_730, %dma_start3A_731, %dma_start3A_732] : memref<2x1600x32xf32, #tpu.memory_space<vmem>> -> memref<1x1600x32xf32, #tpu.memory_space<vmem>>
    %dma_start3A_734 = tpu.memref_squeeze %dma_start3A_733 : memref<1x1600x32xf32, #tpu.memory_space<vmem>> -> memref<1600x32xf32, #tpu.memory_space<vmem>>
    %dma_start3A_735 = arith.constant 0 : i32
    %dma_start3A_736 = tpu.memref_slice %arg4[%add3A_729, %dma_start3A_735] : memref<819200x32xf32, #tpu.memory_space<hbm>> -> memref<1600x32xf32, #tpu.memory_space<hbm>>
    %dma_start3A_737 = arith.constant 0 : i32
    %dma_start3A_738 = tpu.memref_slice %arg4[%add3A_729, %dma_start3A_737] : memref<819200x32xf32, #tpu.memory_space<hbm>> -> memref<1600x32xf32, #tpu.memory_space<hbm>>
    %dma_start3A_739 = arith.constant 0 : i32
    %dma_start3A_740 = arith.constant 0 : i32
    %dma_start3A_741 = tpu.memref_slice %arg6[%dma_start3A_730, %dma_start3A_739, %dma_start3A_740] : memref<2x1600x32xf32, #tpu.memory_space<vmem>> -> memref<1x1600x32xf32, #tpu.memory_space<vmem>>
    %dma_start3A_742 = tpu.memref_squeeze %dma_start3A_741 : memref<1x1600x32xf32, #tpu.memory_space<vmem>> -> memref<1600x32xf32, #tpu.memory_space<vmem>>
    tpu.enqueue_dma source(%dma_start3A_742 : memref<1600x32xf32, #tpu.memory_space<vmem>>) target(%dma_start3A_738 : memref<1600x32xf32, #tpu.memory_space<hbm>>) target_semaphore(%arg10 : memref<!tpu.dma_semaphore, #tpu.memory_space<semaphore_mem>>)
    %dma_wait3A_743 = arith.constant 0 : i32
    %dma_wait3A_744 = arith.constant 0 : i32
    %dma_wait3A_745 = arith.constant 0 : i32
    %dma_wait3A_746 = tpu.memref_slice %arg6[%dma_wait3A_743, %dma_wait3A_744, %dma_wait3A_745] : memref<2x1600x32xf32, #tpu.memory_space<vmem>> -> memref<1x1600x32xf32, #tpu.memory_space<vmem>>
    %dma_wait3A_747 = tpu.memref_squeeze %dma_wait3A_746 : memref<1x1600x32xf32, #tpu.memory_space<vmem>> -> memref<1600x32xf32, #tpu.memory_space<vmem>>
    %dma_wait3A_748 = arith.constant 0 : i32
    %dma_wait3A_749 = tpu.memref_slice %arg4[%add3A_704, %dma_wait3A_748] : memref<819200x32xf32, #tpu.memory_space<hbm>> -> memref<1600x32xf32, #tpu.memory_space<hbm>>
    %dma_wait3A_750 = arith.constant 0 : i32
    %dma_wait3A_751 = tpu.memref_slice %arg4[%add3A_704, %dma_wait3A_750] : memref<819200x32xf32, #tpu.memory_space<hbm>> -> memref<1600x32xf32, #tpu.memory_space<hbm>>
    %dma_wait3A_752 = arith.constant 0 : i32
    %dma_wait3A_753 = arith.constant 0 : i32
    %dma_wait3A_754 = tpu.memref_slice %arg6[%dma_wait3A_743, %dma_wait3A_752, %dma_wait3A_753] : memref<2x1600x32xf32, #tpu.memory_space<vmem>> -> memref<1x1600x32xf32, #tpu.memory_space<vmem>>
    %dma_wait3A_755 = tpu.memref_squeeze %dma_wait3A_754 : memref<1x1600x32xf32, #tpu.memory_space<vmem>> -> memref<1600x32xf32, #tpu.memory_space<vmem>>
    tpu.wait_dma2 semaphore(%arg9 : memref<!tpu.dma_semaphore, #tpu.memory_space<semaphore_mem>>) src(%dma_wait3A_755 : memref<1600x32xf32, #tpu.memory_space<vmem>>) dst(%dma_wait3A_751 : memref<1600x32xf32, #tpu.memory_space<hbm>>)
    %dma_wait3A_756 = arith.constant 1 : i32
    %dma_wait3A_757 = arith.constant 0 : i32
    %dma_wait3A_758 = arith.constant 0 : i32
    %dma_wait3A_759 = tpu.memref_slice %arg6[%dma_wait3A_756, %dma_wait3A_757, %dma_wait3A_758] : memref<2x1600x32xf32, #tpu.memory_space<vmem>> -> memref<1x1600x32xf32, #tpu.memory_space<vmem>>
    %dma_wait3A_760 = tpu.memref_squeeze %dma_wait3A_759 : memref<1x1600x32xf32, #tpu.memory_space<vmem>> -> memref<1600x32xf32, #tpu.memory_space<vmem>>
    %dma_wait3A_761 = arith.constant 0 : i32
    %dma_wait3A_762 = tpu.memref_slice %arg4[%add3A_729, %dma_wait3A_761] : memref<819200x32xf32, #tpu.memory_space<hbm>> -> memref<1600x32xf32, #tpu.memory_space<hbm>>
    %dma_wait3A_763 = arith.constant 0 : i32
    %dma_wait3A_764 = tpu.memref_slice %arg4[%add3A_729, %dma_wait3A_763] : memref<819200x32xf32, #tpu.memory_space<hbm>> -> memref<1600x32xf32, #tpu.memory_space<hbm>>
    %dma_wait3A_765 = arith.constant 0 : i32
    %dma_wait3A_766 = arith.constant 0 : i32
    %dma_wait3A_767 = tpu.memref_slice %arg6[%dma_wait3A_756, %dma_wait3A_765, %dma_wait3A_766] : memref<2x1600x32xf32, #tpu.memory_space<vmem>> -> memref<1x1600x32xf32, #tpu.memory_space<vmem>>
    %dma_wait3A_768 = tpu.memref_squeeze %dma_wait3A_767 : memref<1x1600x32xf32, #tpu.memory_space<vmem>> -> memref<1600x32xf32, #tpu.memory_space<vmem>>
    tpu.wait_dma2 semaphore(%arg10 : memref<!tpu.dma_semaphore, #tpu.memory_space<semaphore_mem>>) src(%dma_wait3A_768 : memref<1600x32xf32, #tpu.memory_space<vmem>>) dst(%dma_wait3A_764 : memref<1600x32xf32, #tpu.memory_space<hbm>>)
    return
  }
}

</mosaic_0001>

<sc_bundles>
// kernel: kernel.3.cloned.1.call-start
scs
__scs_entry_jumppad:
0x0: {  	(pc) =	sbr.rel $0x88, $3  }
0x1: {  	(tag) =	ssettag $0x0;
	lr =	simm.s32 $0x1  }
0x2: {  	[smem:$0x3F9F] =	sst lr;
	_ =	strace $0xD0000000  }
0x3: {  	_ = 	snop  }
0x4: {  	_ = 	snop  }
0x5: {  	_ = 	snop  }
0x6: {  	_ = 	snop  }
0x7: {  	_ = 	snop  }
__scs_overlays_trampoline_lowered:
0x8: {  	[smem:$0x3FAE] =	sst s0  }
0x9: {  	[smem:$0x3FAF] =	sst s1  }
0xa: {  	[smem:$0x3FB0] =	sst s2  }
0xb: {  	[smem:$0x3FB1] =	sst s3  }
0xc: {  	[smem:$0x3FB2] =	sst s4  }
0xd: {  	[smem:$0x3FB3] =	sst s5  }
0xe: {  	[smem:$0x3FB4] =	sst s6  }
0xf: {  	[smem:$0x3FB5] =	sst s7  }
0x10: {  	[smem:$0x3FB6] =	sst s8  }
0x11: {  	[smem:$0x3FB7] =	sst s9;
	s0 =	simm.s32 @!p0 $0x0  }
0x12: {  	s1 =	sld [smem:$0x3F9D];
	s0 =	simm.s32 @p0 $0x1  }
0x13: {  	[smem:$0x3FB8] =	sst s0;
	s0 =	simm.s32 @!p1 $0x0  }
0x14: {  	s2 =	sld [smem:$0x3F9C];
	s0 =	simm.s32 @p1 $0x1  }
0x15: {  	[smem:$0x3FB9] =	sst s0;
	s0 =	simm.s32 @!p2 $0x0  }
0x16: {  	s3 =	sld [smem:$0x3FDB];
	s0 =	simm.s32 @p2 $0x1  }
0x17: {  	s4 =	simm.s32 $0x1BF5;
	[smem:$0x3FBB] =	sst s0  }
0x18: {  	s0 =	sld [smem:$0x3F9E];
	_ =	swait.ge [sflag:s4], $0x0  }
0x19: {  	s7 =	sld [smem:$0x3F9F]  }
0x1a: {  	s8 =	sadd.s32 $0xFFFFE003, lr  }
0x1b: {  	s9 =	sadd.s32 $0xFFFFFEF7, lr;
	s5 =	simm.s32 $0xFFFFFFFF;
	p2 =	slt.u32 s8, $0xFFFFF086  }
0x1c: {  	p1 =	slt.u32 s9, $0xF7A;
	s5 =	simm.s32 @!p2 $0x0  }
0x1d: {  	s5 =	simm.s32 @p1 $0x1;
	p0 =	seq.s32 s7, s2  }
0x1e: {  	s7 =	smul.u32 @!p0 $0xF7A, s2;
	p2 =	seq.s32 @!p0 s5, $0x0  }
0x1f: {  	s9 =	smul.u32 $0xF7A, s1;
	s8 =	simm.s32 @!p0 $0x1BF5;
	p2 =	por !p2, p0  }
0x20: {  	[sflag:s8] =	ssyncset.s32 @!p0 $0xFFFFF086;
	s6 =	sadd.s32 @!p0 s3, s7;
	s7 =	simm.s32 @!p0 $0x108  }
0x21: {  	s3 =	sadd.s32 s3, s9;
	s6 =	sadd.s32 @!p0 $0x88, s6;
	s7 =	simm.s32 @p2 $0x1082  }
0x22: {  	[simem:s7], [sflag:s8] =	dma.local @!p0 [hbm:s6], $0xF7A  }
0x23: {  	s9 =	sor.u32 $0xD0000000, s2;
	s6 =	simm.s32 $0x108;
	_ =	swait.ge @!p0 [sflag:s8], $0x0  }
0x24: {  	s3 =	sadd.s32 $0x88, s3;
	s6 =	simm.s32 @!p1 $0x1082;
	[sflag:s4] =	ssyncset.s32 $0xFFFFF086  }
0x25: {  	[simem:s6], [sflag:s4] =	dma.local [hbm:s3], $0xF7A  }
0x26: {  	[smem:$0x3F9F] =	sst s1;
	(tag) =	ssettag s2;
	_ =	strace s9  }
0x27: {  	s1 =	sld [smem:$0x3FAF]  }
0x28: {  	s2 =	sld [smem:$0x3FB0]  }
0x29: {  	s4 =	sld [smem:$0x3FB2]  }
0x2a: {  	p0 =	seq.s32 s5, $0x0;
	s5 =	sld [smem:$0x3FB3]  }
0x2b: {  	s6 =	sld [smem:$0x3FB4]  }
0x2c: {  	s7 =	sld [smem:$0x3FB5]  }
0x2d: {  	s3 =	simm.s32 $0x108;
	s8 =	sld [smem:$0x3FB6]  }
0x2e: {  	s3 =	simm.s32 @!p0 $0x1082;
	s9 =	sld [smem:$0x3FB7]  }
0x2f: {  	lr =	sadd.s32 s0, s3;
	s0 =	sld [smem:$0x3FAE]  }
0x30: {  	s3 =	sld [smem:$0x3FB1]  }
0x31: {  	[smem:$0x3FBA] =	sst s10  }
0x32: {  	s10 =	sld [smem:$0x3FB8];
	_ =	sdelay $0x3  }
0x33: {  	p0 =	seq.s32 s10, $0x1;
	s10 =	sld [smem:$0x3FBA];
	_ =	sdelay $0x3  }
0x34: {  	[smem:$0x3FBA] =	sst s10  }
0x35: {  	s10 =	sld [smem:$0x3FB9];
	_ =	sdelay $0x3  }
0x36: {  	p1 =	seq.s32 s10, $0x1;
	s10 =	sld [smem:$0x3FBA];
	_ =	sdelay $0x3  }
0x37: {  	[smem:$0x3FBA] =	sst s10  }
0x38: {  	s10 =	sld [smem:$0x3FBB]  }
0x39: {  	_ = 	snop;
	(pc) =	sbr.ind lr, $3  }
0x3a: {  	_ = 	snop  }
0x3b: {  	_ = 	snop  }
0x3c: {  	p2 =	seq.s32 s10, $0x1;
	s10 =	sld [smem:$0x3FBA]  }
0x3d: {  	_ =	shalt  }
0x3e: {  	_ =	shalt  }
0x3f: {  	_ =	shalt  }
0x40: {  	_ =	shalt  }
0x41: {  	_ =	shalt  }
0x42: {  	_ =	shalt  }
0x43: {  	_ =	shalt  }
0x44: {  	_ =	shalt  }
0x45: {  	_ =	shalt  }
0x46: {  	_ =	shalt  }
0x47: {  	_ =	shalt  }
0x48: {  	_ =	shalt  }
0x49: {  	_ =	shalt  }
0x4a: {  	_ =	shalt  }
0x4b: {  	_ =	shalt  }
0x4c: {  	_ =	shalt  }
0x4d: {  	_ =	shalt  }
0x4e: {  	_ =	shalt  }
0x4f: {  	_ =	shalt  }
0x50: {  	_ =	shalt  }
0x51: {  	_ =	shalt  }
0x52: {  	_ =	shalt  }
0x53: {  	_ =	shalt  }
0x54: {  	_ =	shalt  }
0x55: {  	_ =	shalt  }
0x56: {  	_ =	shalt  }
0x57: {  	_ =	shalt  }
0x58: {  	_ =	shalt  }
0x59: {  	_ =	shalt  }
0x5a: {  	_ =	shalt  }
0x5b: {  	_ =	shalt  }
0x5c: {  	_ =	shalt  }
0x5d: {  	_ =	shalt  }
0x5e: {  	_ =	shalt  }
0x5f: {  	_ =	shalt  }
0x60: {  	_ =	shalt  }
0x61: {  	_ =	shalt  }
0x62: {  	_ =	shalt  }
0x63: {  	_ =	shalt  }
0x64: {  	_ =	shalt  }
0x65: {  	_ =	shalt  }
0x66: {  	_ =	shalt  }
0x67: {  	_ =	shalt  }
0x68: {  	_ =	shalt  }
0x69: {  	_ =	shalt  }
0x6a: {  	_ =	shalt  }
0x6b: {  	_ =	shalt  }
0x6c: {  	_ =	shalt  }
0x6d: {  	_ =	shalt  }
0x6e: {  	_ =	shalt  }
0x6f: {  	_ =	shalt  }
0x70: {  	_ =	shalt  }
0x71: {  	_ =	shalt  }
0x72: {  	_ =	shalt  }
0x73: {  	_ =	shalt  }
0x74: {  	_ =	shalt  }
0x75: {  	_ =	shalt  }
0x76: {  	_ =	shalt  }
0x77: {  	_ =	shalt  }
0x78: {  	_ =	shalt  }
0x79: {  	_ =	shalt  }
0x7a: {  	_ =	shalt  }
0x7b: {  	_ =	shalt  }
0x7c: {  	_ =	shalt  }
0x7d: {  	_ =	shalt  }
0x7e: {  	_ =	shalt  }
0x7f: {  	_ =	shalt  }
0x80: {  	_ =	shalt  }
0x81: {  	_ =	shalt  }
0x82: {  	_ =	shalt  }
0x83: {  	_ =	shalt  }
0x84: {  	_ =	shalt  }
0x85: {  	_ =	shalt  }
0x86: {  	_ =	shalt  }
0x87: {  	_ =	shalt  }
.Lfunc_end0:
.L_simem_size_0:
called_computation.2_lowered:
.L_overlay_start_0:
0x88: {  	s2 =	sld [smem:$0x3FD9]  }
0x89: {  	s3 =	sld [smem:$0x3FFE];
	_ =	sdelay $0x1  }
0x8a: {  	s1 =	srdreg.scid  }
0x8b: {  	s0 =	sand.u32 $0x1, s1  }
0x8c: {  	s17 =	sshll.u32 s0, $0xA;
	s2 =	sadd.s32 s3, s2  }
0x8d: {  	s2 =	sadd.s32 s2, s17  }
0x8e: {  	[smem:$0x3FC6] =	sst s2  }
0x8f: {  	_ = 	snop  }
0x90: {  	s2 =	sld [smem:$0x3FD0];
	(tm) =	ssettm $0x1  }
0x91: {  	s18 =	sld [smem:$0x3FFB];
	_ =	sdelay $0x3  }
0x92: {  	_ =	strace s18  }
0x93: {  	s3 =	sld [smem:$0x3FFC];
	_ =	sdelay $0x3  }
0x94: {  	_ =	strace s3  }
0x95: {  	s3 =	sld [smem:$0x3FFD];
	_ =	sdelay $0x3  }
0x96: {  	_ =	strace s3  }
0x97: {  	_ =	strace $0x8FFFFFFF  }
0x98: {  	s19 =	sld [smem:$0x3FDB];
	_ =	sdelay $0x1  }
0x99: {  	s4 =	simm.s32 $_scs_section_size  }
0x9a: {  	s5 =	simm.s32 $_size__tile_overlayer_lowered;
	s6 =	simm.s32 $_tile_overlayer_lowered  }
0x9b: {  	s22 =	simm.s32 $0x1BFF;
	s21 =	sshll.u32 s6, $0x1;
	s3 =	sadd.s32 s4, s19  }
0x9c: {  	s7 =	simm.s32 $0x0;
	s20 =	sshll.u32 s5, $0x1;
	s5 =	sadd.s32 s21, s3  }
0x9d: {  	[timem:s7], [sflag:s22] =	dma.local [hbm:s5], s20  }
0x9e: {  	_ =	swait.ge [sflag:s22], s20  }
0x9f: {  	s4 =	ssub.s32 $0x0, s20;
	[sflag:s22] =	ssyncset.done $0x0  }
0xa0: {  	[sflag:s22] =	ssyncadd.s32 s4;
	_ =	sdelay $0x1  }
0xa1: {  	s23 =	simm.s32 $0x1B8B  }
0xa2: {  	_ =	swait.ge [sflag:s23], $0x1  }
0xa3: {  	[sflag:s23] =	ssyncset.done $0x0  }
0xa4: {  	s25 =	simm.s32 $0x1B8E;
	s24 =	sld [smem:$0x3FFE];
	[sflag:s23] =	ssyncadd.s32 $0xFFFFFFFF  }
0xa5: {  	s26 =	simm.s32 $execute0_lowered;
	[smem:$0x3FD2] =	sst s25  }
0xa6: {  	s5 =	sshll.u32 s26, $0x1;
	_ =	strace $0x80000046;
	[dreg:$0x1] =	wrdreg $0xFFFFFFFF  }
0xa7: {  	s28 =	simm.s32 $_size_execute0_lowered;
	s3 =	sadd.s32 s3, s5;
	[dreg:$0x0] =	wrdreg $0x0  }
0xa8: {  	s5 =	sshll.u32 s28, $0x1;
	[dreg:$0x2] =	wrdreg s3  }
0xa9: {  	[dreg:$0x3] =	wrdreg s5  }
0xaa: {  	[dreg:$0x4] =	wrdreg $0xC0  }
0xab: {  	_ =	task [dreg:s7], $0x5FFFF  }
0xac: {  	[dreg:$0x1] =	wrdreg $0xFFFFFFFF  }
0xad: {  	[dreg:$0x0] =	wrdreg $0x60  }
0xae: {  	[dreg:$0x2] =	wrdreg s24  }
0xaf: {  	[dreg:$0x3] =	wrdreg s2  }
0xb0: {  	[dreg:$0x4] =	wrdreg $0x9  }
0xb1: {  	_ =	task.clear_ibuf [dreg:s7], $0x5FFFF;
	_ =	strace $0x90000046  }
0xb2: {  	s29 =	simm.s32 $0x9;
	_ =	strace $0x80000048  }
0xb3: {  	_ =	swait.ge [sflag:s29], $0x1  }
0xb4: {  	[sflag:s29] =	ssyncadd.s32 $0xFFFFFFFF  }
0xb5: {  	_ =	strace $0x90000048  }
0xb6: {  	_ =	sfence  }
0xb7: {  	s30 =	sld [smem:$0x0];
	_ =	sdelay $0x2  }
0xb8: {  	s31 =	sshll.u32 s1, $0xD;
	s1 =	sshrl.u32 s1, $0x2  }
0xb9: {  	s3 =	sand.u32 $0x4000, s31;
	s1 =	sadd.s32 s1, s30  }
0xba: {  	s0 =	sor.u32 s3, s0;
	s1 =	sshll.u32 s1, $0x11  }
0xbb: {  	s0 =	sor.u32 s1, s0  }
0xbc: {  	s0 =	sadd.s32 $0x8F2B, s0  }
0xbd: {  	[sflag:s0] =	ssyncadd.remote.s32 $0x1  }
0xbe: {  	_ =	sfence.sel $0xFFFF  }
0xbf: {  	[dreg:$0x0] =	wrdreg $0xFFFFFFFF;
	(pc) =	sbr.abs _section_cstart, $3  }
0xc0: {  	[dreg:$0x1] =	wrdreg $0xFFFFFFFF  }
0xc1: {  	_ =	task.clear_ibuf [dreg:s7], $0x2FFFF;
	_ =	strace $0x9FFFFFFF  }
0xc2: {  	(tm) =	ssettm $0x7FFFFFFF  }
0xc3: {  	_ =	shalt  }
tec
execute0_lowered:
.L_overlay_start_1:
0x0: {  	(tag) =	ssettag $0x1  }
0x1: {  	s1 =	srdreg.scid;
	s0 =	stileid.u32  }
0x2: {  	s1 =	sand.u32 $0x1, s1;
	s2 =	sshll.u32 s0, $0x1  }
0x3: {  	s3 =	sor.u32 s1, s2  }
0x4: {  	s6 =	smul.u32 $0xC80, s3  }
0x5: {  	s4 =	rddreg [dreg:$0x0];
	s2 =	simm.s32 $0x0;
	s7 =	smul.u32 $0xC8000, s3  }
0x6: {  	[smem:$0x7FF] =	sst s2;
	s3 =	smul.u32 $0x19000, s3  }
0x7: {  	s5 =	rddreg [dreg:$0x1];
	_ =	strace $0x80000047  }
0x8: {  	s6 =	sadd.s32 s6, s4;
	s7 =	sshrl.u32 s7, $0x3;
	s3 =	sadd.s32 s5, s3  }
0x9: {  	s6 =	sadd.s32 $0xE00, s6;
	s31 =	sadd.s32 s5, s7;
	[dreg:$0x4] =	wrdreg s3  }
0xa: {  	[dreg:$0x3] =	wrdreg s6;
	s16 =	sadd.s32 $0x1900, s31  }
0xb: {  	s17 =	sadd.s32 $0x3200, s31;
	[dreg:$0x5] =	wrdreg s16  }
0xc: {  	s18 =	sadd.s32 $0x4B00, s31;
	[dreg:$0x6] =	wrdreg s17  }
0xd: {  	s19 =	sadd.s32 $0x6400, s31;
	[dreg:$0x7] =	wrdreg s18  }
0xe: {  	s20 =	sadd.s32 $0x7D00, s31;
	[dreg:$0x8] =	wrdreg s19  }
0xf: {  	s21 =	sadd.s32 $0x9600, s31;
	[dreg:$0x9] =	wrdreg s20  }
0x10: {  	s22 =	sadd.s32 $0xAF00, s31;
	[dreg:$0xa] =	wrdreg s21  }
0x11: {  	s23 =	sadd.s32 $0xC800, s31;
	[dreg:$0xb] =	wrdreg s22  }
0x12: {  	[dreg:$0xc] =	wrdreg s23  }
0x13: {  	s24 =	sadd.s32 $0xE100, s31;
	s25 =	rddreg [dreg:$0x3]  }
0x14: {  	s26 =	sadd.s32 $0xFA00, s31;
	[dreg:$0xd] =	wrdreg s24  }
0x15: {  	s3 =	simm.s32 $0x5;
	[dreg:$0xe] =	wrdreg s26  }
0x16: {  	[tilespmem:s2], [sflag:$0x5] =	stream.linear.gather [hbm4b:s25+s2], $0x6400, $0x38;
	[tilespmem:$0x1F400] =	vst v63  }
0x17: {  	_ =	swait.ge [sflag:s3], $0x6400  }
0x18: {  	s4 =	sadd.s32 $0xF43200, s4;
	[sflag:s3] =	ssyncset.done $0x0  }
0x19: {  	s5 =	simm.s32 $0x640;
	s6 =	simm.s32 $0x6400;
	[sflag:s3] =	ssyncadd.s32 $0xFFFF9C00  }
0x1a: {  	[tilespmem:s6], [sflag:$0x1] =	stream.indirect.gather [hbm4b:s4+s5], $0x20, s2, s5, $0xb8;
	[tilespmem:$0x1F400] =	vst v63  }
0x1b: {  	s8 =	simm.s32 $0x1;
	s7 =	simm.s32 $0x12C00  }
0x1c: {  	[tilespmem:s7], [sflag:$0x2] =	stream.indirect.gather [hbm4b:s4+s5], $0x20, s5, s5, $0xb8;
	[tilespmem:$0x1F400] =	vst v63  }
0x1d: {  	_ =	swait.ge [sflag:s8], $0xC800  }
0x1e: {  	[sflag:s8] =	ssyncset.done $0x0  }
0x1f: {  	s9 =	simm.s32 $0x3;
	s10 =	rddreg [dreg:$0x4];
	[sflag:s8] =	ssyncadd.s32 $0xFFFF3800  }
0x20: {  	[hbm4b:s10+s2] =	stream.linear.scatter [tilespmem:s6], [sflag:$0x3], $0xC800, $0x38;
	[tilespmem:$0x1F400] =	vst v63  }
0x21: {  	_ =	swait.ge [sflag:s9], $0xC800  }
0x22: {  	[sflag:s9] =	ssyncset.done $0x0  }
0x23: {  	s11 =	simm.s32 $0x2;
	s10 =	simm.s32 $0xC80;
	[sflag:s9] =	ssyncadd.s32 $0xFFFF3800  }
0x24: {  	[tilespmem:s6], [sflag:$0x1] =	stream.indirect.gather [hbm4b:s4+s5], $0x20, s10, s5, $0xb8;
	[tilespmem:$0x1F400] =	vst v63  }
0x25: {  	_ =	swait.ge [sflag:s11], $0xC800  }
0x26: {  	[sflag:s11] =	ssyncset.done $0x0  }
0x27: {  	s12 =	simm.s32 $0x4;
	s13 =	rddreg [dreg:$0x5];
	[sflag:s11] =	ssyncadd.s32 $0xFFFF3800  }
0x28: {  	[hbm4b:s13+s2] =	stream.linear.scatter [tilespmem:s7], [sflag:$0x4], $0xC800, $0x38;
	[tilespmem:$0x1F400] =	vst v63  }
0x29: {  	_ =	swait.ge [sflag:s12], $0xC800  }
0x2a: {  	[sflag:s12] =	ssyncset.done $0x0  }
0x2b: {  	s13 =	simm.s32 $0x12C0;
	[sflag:s12] =	ssyncadd.s32 $0xFFFF3800  }
0x2c: {  	[tilespmem:s7], [sflag:$0x2] =	stream.indirect.gather [hbm4b:s4+s5], $0x20, s13, s5, $0xb8;
	[tilespmem:$0x1F400] =	vst v63  }
0x2d: {  	_ =	swait.ge [sflag:s8], $0xC800  }
0x2e: {  	[sflag:s8] =	ssyncset.done $0x0  }
0x2f: {  	s14 =	rddreg [dreg:$0x6];
	[sflag:s8] =	ssyncadd.s32 $0xFFFF3800  }
0x30: {  	[hbm4b:s14+s2] =	stream.linear.scatter [tilespmem:s6], [sflag:$0x3], $0xC800, $0x38;
	[tilespmem:$0x1F400] =	vst v63  }
0x31: {  	_ =	swait.ge [sflag:s9], $0xC800  }
0x32: {  	[sflag:s9] =	ssyncset.done $0x0  }
0x33: {  	s14 =	simm.s32 $0x1900;
	[sflag:s9] =	ssyncadd.s32 $0xFFFF3800  }
0x34: {  	[tilespmem:s6], [sflag:$0x1] =	stream.indirect.gather [hbm4b:s4+s5], $0x20, s14, s5, $0xb8;
	[tilespmem:$0x1F400] =	vst v63  }
0x35: {  	_ =	swait.ge [sflag:s11], $0xC800  }
0x36: {  	[sflag:s11] =	ssyncset.done $0x0  }
0x37: {  	s15 =	rddreg [dreg:$0x7];
	[sflag:s11] =	ssyncadd.s32 $0xFFFF3800  }
0x38: {  	[hbm4b:s15+s2] =	stream.linear.scatter [tilespmem:s7], [sflag:$0x4], $0xC800, $0x38;
	[tilespmem:$0x1F400] =	vst v63  }
0x39: {  	_ =	swait.ge [sflag:s12], $0xC800  }
0x3a: {  	[sflag:s12] =	ssyncset.done $0x0  }
0x3b: {  	s15 =	simm.s32 $0x1F40;
	[sflag:s12] =	ssyncadd.s32 $0xFFFF3800  }
0x3c: {  	[tilespmem:s7], [sflag:$0x2] =	stream.indirect.gather [hbm4b:s4+s5], $0x20, s15, s5, $0xb8;
	[tilespmem:$0x1F400] =	vst v63  }
0x3d: {  	_ =	swait.ge [sflag:s8], $0xC800  }
0x3e: {  	[sflag:s8] =	ssyncset.done $0x0  }
0x3f: {  	s16 =	rddreg [dreg:$0x8];
	[sflag:s8] =	ssyncadd.s32 $0xFFFF3800  }
0x40: {  	[hbm4b:s16+s2] =	stream.linear.scatter [tilespmem:s6], [sflag:$0x3], $0xC800, $0x38;
	[tilespmem:$0x1F400] =	vst v63  }
0x41: {  	_ =	swait.ge [sflag:s9], $0xC800  }
0x42: {  	[sflag:s9] =	ssyncset.done $0x0  }
0x43: {  	s16 =	simm.s32 $0x2580;
	[sflag:s9] =	ssyncadd.s32 $0xFFFF3800  }
0x44: {  	[tilespmem:s6], [sflag:$0x1] =	stream.indirect.gather [hbm4b:s4+s5], $0x20, s16, s5, $0xb8;
	[tilespmem:$0x1F400] =	vst v63  }
0x45: {  	_ =	swait.ge [sflag:s11], $0xC800  }
0x46: {  	[sflag:s11] =	ssyncset.done $0x0  }
0x47: {  	s17 =	rddreg [dreg:$0x9];
	[sflag:s11] =	ssyncadd.s32 $0xFFFF3800  }
0x48: {  	[hbm4b:s17+s2] =	stream.linear.scatter [tilespmem:s7], [sflag:$0x4], $0xC800, $0x38;
	[tilespmem:$0x1F400] =	vst v63  }
0x49: {  	_ =	swait.ge [sflag:s12], $0xC800  }
0x4a: {  	[sflag:s12] =	ssyncset.done $0x0  }
0x4b: {  	s17 =	simm.s32 $0x2BC0;
	[sflag:s12] =	ssyncadd.s32 $0xFFFF3800  }
0x4c: {  	[tilespmem:s7], [sflag:$0x2] =	stream.indirect.gather [hbm4b:s4+s5], $0x20, s17, s5, $0xb8;
	[tilespmem:$0x1F400] =	vst v63  }
0x4d: {  	_ =	swait.ge [sflag:s8], $0xC800  }
0x4e: {  	[sflag:s8] =	ssyncset.done $0x0  }
0x4f: {  	s18 =	rddreg [dreg:$0xa];
	[sflag:s8] =	ssyncadd.s32 $0xFFFF3800  }
0x50: {  	[hbm4b:s18+s2] =	stream.linear.scatter [tilespmem:s6], [sflag:$0x3], $0xC800, $0x38;
	[tilespmem:$0x1F400] =	vst v63  }
0x51: {  	_ =	swait.ge [sflag:s9], $0xC800  }
0x52: {  	[sflag:s9] =	ssyncset.done $0x0  }
0x53: {  	s18 =	simm.s32 $0x3200;
	[sflag:s9] =	ssyncadd.s32 $0xFFFF3800  }
0x54: {  	[tilespmem:s6], [sflag:$0x1] =	stream.indirect.gather [hbm4b:s4+s5], $0x20, s18, s5, $0xb8;
	[tilespmem:$0x1F400] =	vst v63  }
0x55: {  	_ =	swait.ge [sflag:s11], $0xC800  }
0x56: {  	[sflag:s11] =	ssyncset.done $0x0  }
0x57: {  	s19 =	rddreg [dreg:$0xb];
	[sflag:s11] =	ssyncadd.s32 $0xFFFF3800  }
0x58: {  	[hbm4b:s19+s2] =	stream.linear.scatter [tilespmem:s7], [sflag:$0x4], $0xC800, $0x38;
	[tilespmem:$0x1F400] =	vst v63  }
0x59: {  	_ =	swait.ge [sflag:s12], $0xC800  }
0x5a: {  	[sflag:s12] =	ssyncset.done $0x0  }
0x5b: {  	s19 =	simm.s32 $0x3840;
	[sflag:s12] =	ssyncadd.s32 $0xFFFF3800  }
0x5c: {  	[tilespmem:s7], [sflag:$0x2] =	stream.indirect.gather [hbm4b:s4+s5], $0x20, s19, s5, $0xb8;
	[tilespmem:$0x1F400] =	vst v63  }
0x5d: {  	_ =	swait.ge [sflag:s8], $0xC800  }
0x5e: {  	[sflag:s8] =	ssyncset.done $0x0  }
0x5f: {  	s20 =	rddreg [dreg:$0xc];
	[sflag:s8] =	ssyncadd.s32 $0xFFFF3800  }
0x60: {  	[hbm4b:s20+s2] =	stream.linear.scatter [tilespmem:s6], [sflag:$0x3], $0xC800, $0x38;
	[tilespmem:$0x1F400] =	vst v63  }
0x61: {  	_ =	swait.ge [sflag:s9], $0xC800  }
0x62: {  	[sflag:s9] =	ssyncset.done $0x0  }
0x63: {  	s20 =	simm.s32 $0x3E80;
	[sflag:s9] =	ssyncadd.s32 $0xFFFF3800  }
0x64: {  	[tilespmem:s6], [sflag:$0x1] =	stream.indirect.gather [hbm4b:s4+s5], $0x20, s20, s5, $0xb8;
	[tilespmem:$0x1F400] =	vst v63  }
0x65: {  	_ =	swait.ge [sflag:s11], $0xC800  }
0x66: {  	[sflag:s11] =	ssyncset.done $0x0  }
0x67: {  	s21 =	rddreg [dreg:$0xd];
	[sflag:s11] =	ssyncadd.s32 $0xFFFF3800  }
0x68: {  	[hbm4b:s21+s2] =	stream.linear.scatter [tilespmem:s7], [sflag:$0x4], $0xC800, $0x38;
	[tilespmem:$0x1F400] =	vst v63  }
0x69: {  	_ =	swait.ge [sflag:s12], $0xC800  }
0x6a: {  	[sflag:s12] =	ssyncset.done $0x0  }
0x6b: {  	s21 =	simm.s32 $0x44C0;
	[sflag:s12] =	ssyncadd.s32 $0xFFFF3800  }
0x6c: {  	[tilespmem:s7], [sflag:$0x2] =	stream.indirect.gather [hbm4b:s4+s5], $0x20, s21, s5, $0xb8;
	[tilespmem:$0x1F400] =	vst v63  }
0x6d: {  	_ =	swait.ge [sflag:s8], $0xC800  }
0x6e: {  	[sflag:s8] =	ssyncset.done $0x0  }
0x6f: {  	s22 =	rddreg [dreg:$0xe];
	[sflag:s8] =	ssyncadd.s32 $0xFFFF3800  }
0x70: {  	[hbm4b:s22+s2] =	stream.linear.scatter [tilespmem:s6], [sflag:$0x3], $0xC800, $0x38;
	[tilespmem:$0x1F400] =	vst v63  }
0x71: {  	_ =	swait.ge [sflag:s9], $0xC800  }
0x72: {  	[sflag:s9] =	ssyncset.done $0x0  }
0x73: {  	s22 =	simm.s32 $0x4B00;
	[sflag:s9] =	ssyncadd.s32 $0xFFFF3800  }
0x74: {  	[tilespmem:s6], [sflag:$0x1] =	stream.indirect.gather [hbm4b:s4+s5], $0x20, s22, s5, $0xb8;
	[tilespmem:$0x1F400] =	vst v63  }
0x75: {  	_ =	swait.ge [sflag:s11], $0xC800  }
0x76: {  	[sflag:s11] =	ssyncset.done $0x0  }
0x77: {  	s23 =	sadd.s32 $0x11300, s31;
	[sflag:s11] =	ssyncadd.s32 $0xFFFF3800  }
0x78: {  	[hbm4b:s23+s2] =	stream.linear.scatter [tilespmem:s7], [sflag:$0x4], $0xC800, $0x38;
	[tilespmem:$0x1F400] =	vst v63  }
0x79: {  	_ =	swait.ge [sflag:s12], $0xC800  }
0x7a: {  	[sflag:s12] =	ssyncset.done $0x0  }
0x7b: {  	s24 =	simm.s32 $0x5140;
	[sflag:s12] =	ssyncadd.s32 $0xFFFF3800  }
0x7c: {  	[tilespmem:s7], [sflag:$0x2] =	stream.indirect.gather [hbm4b:s4+s5], $0x20, s24, s5, $0xb8;
	[tilespmem:$0x1F400] =	vst v63  }
0x7d: {  	_ =	swait.ge [sflag:s8], $0xC800  }
0x7e: {  	[sflag:s8] =	ssyncset.done $0x0  }
0x7f: {  	s25 =	sadd.s32 $0x12C00, s31;
	[sflag:s8] =	ssyncadd.s32 $0xFFFF3800  }
0x80: {  	[hbm4b:s25+s2] =	stream.linear.scatter [tilespmem:s6], [sflag:$0x3], $0xC800, $0x38;
	[tilespmem:$0x1F400] =	vst v63  }
0x81: {  	_ =	swait.ge [sflag:s9], $0xC800  }
0x82: {  	[sflag:s9] =	ssyncset.done $0x0  }
0x83: {  	s26 =	simm.s32 $0x5780;
	[sflag:s9] =	ssyncadd.s32 $0xFFFF3800  }
0x84: {  	[tilespmem:s6], [sflag:$0x1] =	stream.indirect.gather [hbm4b:s4+s5], $0x20, s26, s5, $0xb8;
	[tilespmem:$0x1F400] =	vst v63  }
0x85: {  	_ =	swait.ge [sflag:s11], $0xC800  }
0x86: {  	[sflag:s11] =	ssyncset.done $0x0  }
0x87: {  	s28 =	sadd.s32 $0x14500, s31;
	[sflag:s11] =	ssyncadd.s32 $0xFFFF3800  }
0x88: {  	[hbm4b:s28+s2] =	stream.linear.scatter [tilespmem:s7], [sflag:$0x4], $0xC800, $0x38;
	[tilespmem:$0x1F400] =	vst v63  }
0x89: {  	_ =	swait.ge [sflag:s12], $0xC800  }
0x8a: {  	[sflag:s12] =	ssyncset.done $0x0  }
0x8b: {  	s29 =	simm.s32 $0x5DC0;
	[sflag:s12] =	ssyncadd.s32 $0xFFFF3800  }
0x8c: {  	[tilespmem:s7], [sflag:$0x2] =	stream.indirect.gather [hbm4b:s4+s5], $0x20, s29, s5, $0xb8;
	[tilespmem:$0x1F400] =	vst v63  }
0x8d: {  	_ =	swait.ge [sflag:s8], $0xC800  }
0x8e: {  	s1 =	ssub.s32 $0x2, s1;
	[sflag:s8] =	ssyncset.done $0x0  }
0x8f: {  	s0 =	sshrl.u32 s1, $0x1;
	s30 =	sadd.s32 $0x15E00, s31;
	[sflag:s8] =	ssyncadd.s32 $0xFFFF3800  }
0x90: {  	[hbm4b:s30+s2] =	stream.linear.scatter [tilespmem:s6], [sflag:$0x3], $0xC800, $0x38;
	[tilespmem:$0x1F400] =	vst v63  }
0x91: {  	s0 =	ssub.s32 s1, s0;
	_ =	swait.ge [sflag:s11], $0xC800  }
0x92: {  	s0 =	smax.u32 s0, $0x1;
	[sflag:s11] =	ssyncset.done $0x0  }
0x93: {  	p0 =	sne.s32 s0, $0x1;
	s31 =	sadd.s32 $0x17700, s31;
	[sflag:s11] =	ssyncadd.s32 $0xFFFF3800  }
0x94: {  	[hbm4b:s31+s2] =	stream.linear.scatter [tilespmem:s7], [sflag:$0x4], $0xC800, $0x38;
	[tilespmem:$0x1F400] =	vst v63  }
.Ltmp0:
0x95: {  	_ =	swait.ge [sflag:s9], $0xC800;
	(pc) =	sbr.rel @!p0 .LBB2_2-.Ltmp0, $4  }
0x96: {  	[sflag:s9] =	ssyncset.done $0x0  }
0x97: {  	[sflag:s9] =	ssyncadd.s32 $0xFFFF3800  }
0x98: {  	_ =	swait.ge [sflag:s12], $0xC800  }
0x99: {  	s1 =	sadd.s32 $0xFFFFFFFF, s0;
	[sflag:s12] =	ssyncset.done $0x0  }
.LBB2_1:
0x9a: {  	s0 =	rddreg [dreg:$0x3];
	[sflag:s12] =	ssyncadd.s32 $0xFFFF3800  }
0x9b: {  	[tilespmem:s2], [sflag:$0x5] =	stream.linear.gather [hbm4b:s0+s2], $0x6400, $0x38;
	[tilespmem:$0x1F400] =	vst v63  }
0x9c: {  	_ =	swait.ge [sflag:s3], $0x6400  }
0x9d: {  	[sflag:s3] =	ssyncset.done $0x0  }
0x9e: {  	[sflag:s3] =	ssyncadd.s32 $0xFFFF9C00  }
0x9f: {  	[tilespmem:s6], [sflag:$0x1] =	stream.indirect.gather [hbm4b:s4+s5], $0x20, s2, s5, $0xb8;
	[tilespmem:$0x1F400] =	vst v63  }
0xa0: {  	_ = 	snop  }
0xa1: {  	[tilespmem:s7], [sflag:$0x2] =	stream.indirect.gather [hbm4b:s4+s5], $0x20, s5, s5, $0xb8;
	[tilespmem:$0x1F400] =	vst v63  }
0xa2: {  	_ =	swait.ge [sflag:s8], $0xC800  }
0xa3: {  	[sflag:s8] =	ssyncset.done $0x0  }
0xa4: {  	s0 =	rddreg [dreg:$0x4];
	[sflag:s8] =	ssyncadd.s32 $0xFFFF3800  }
0xa5: {  	[hbm4b:s0+s2] =	stream.linear.scatter [tilespmem:s6], [sflag:$0x3], $0xC800, $0x38;
	[tilespmem:$0x1F400] =	vst v63  }
0xa6: {  	_ =	swait.ge [sflag:s9], $0xC800  }
0xa7: {  	[sflag:s9] =	ssyncset.done $0x0  }
0xa8: {  	[sflag:s9] =	ssyncadd.s32 $0xFFFF3800  }
0xa9: {  	[tilespmem:s6], [sflag:$0x1] =	stream.indirect.gather [hbm4b:s4+s5], $0x20, s10, s5, $0xb8;
	[tilespmem:$0x1F400] =	vst v63  }
0xaa: {  	_ =	swait.ge [sflag:s11], $0xC800  }
0xab: {  	[sflag:s11] =	ssyncset.done $0x0  }
0xac: {  	s0 =	rddreg [dreg:$0x5];
	[sflag:s11] =	ssyncadd.s32 $0xFFFF3800  }
0xad: {  	[hbm4b:s0+s2] =	stream.linear.scatter [tilespmem:s7], [sflag:$0x4], $0xC800, $0x38;
	[tilespmem:$0x1F400] =	vst v63  }
0xae: {  	_ =	swait.ge [sflag:s12], $0xC800  }
0xaf: {  	[sflag:s12] =	ssyncset.done $0x0  }
0xb0: {  	[sflag:s12] =	ssyncadd.s32 $0xFFFF3800  }
0xb1: {  	[tilespmem:s7], [sflag:$0x2] =	stream.indirect.gather [hbm4b:s4+s5], $0x20, s13, s5, $0xb8;
	[tilespmem:$0x1F400] =	vst v63  }
0xb2: {  	_ =	swait.ge [sflag:s8], $0xC800  }
0xb3: {  	[sflag:s8] =	ssyncset.done $0x0  }
0xb4: {  	s0 =	rddreg [dreg:$0x6];
	[sflag:s8] =	ssyncadd.s32 $0xFFFF3800  }
0xb5: {  	[hbm4b:s0+s2] =	stream.linear.scatter [tilespmem:s6], [sflag:$0x3], $0xC800, $0x38;
	[tilespmem:$0x1F400] =	vst v63  }
0xb6: {  	_ =	swait.ge [sflag:s9], $0xC800  }
0xb7: {  	[sflag:s9] =	ssyncset.done $0x0  }
0xb8: {  	[sflag:s9] =	ssyncadd.s32 $0xFFFF3800  }
0xb9: {  	[tilespmem:s6], [sflag:$0x1] =	stream.indirect.gather [hbm4b:s4+s5], $0x20, s14, s5, $0xb8;
	[tilespmem:$0x1F400] =	vst v63  }
0xba: {  	_ =	swait.ge [sflag:s11], $0xC800  }
0xbb: {  	[sflag:s11] =	ssyncset.done $0x0  }
0xbc: {  	s0 =	rddreg [dreg:$0x7];
	[sflag:s11] =	ssyncadd.s32 $0xFFFF3800  }
0xbd: {  	[hbm4b:s0+s2] =	stream.linear.scatter [tilespmem:s7], [sflag:$0x4], $0xC800, $0x38;
	[tilespmem:$0x1F400] =	vst v63  }
0xbe: {  	_ =	swait.ge [sflag:s12], $0xC800  }
0xbf: {  	[sflag:s12] =	ssyncset.done $0x0  }
0xc0: {  	[sflag:s12] =	ssyncadd.s32 $0xFFFF3800  }
0xc1: {  	[tilespmem:s7], [sflag:$0x2] =	stream.indirect.gather [hbm4b:s4+s5], $0x20, s15, s5, $0xb8;
	[tilespmem:$0x1F400] =	vst v63  }
0xc2: {  	_ =	swait.ge [sflag:s8], $0xC800  }
0xc3: {  	[sflag:s8] =	ssyncset.done $0x0  }
0xc4: {  	s0 =	rddreg [dreg:$0x8];
	[sflag:s8] =	ssyncadd.s32 $0xFFFF3800  }
0xc5: {  	[hbm4b:s0+s2] =	stream.linear.scatter [tilespmem:s6], [sflag:$0x3], $0xC800, $0x38;
	[tilespmem:$0x1F400] =	vst v63  }
0xc6: {  	_ =	swait.ge [sflag:s9], $0xC800  }
0xc7: {  	[sflag:s9] =	ssyncset.done $0x0  }
0xc8: {  	[sflag:s9] =	ssyncadd.s32 $0xFFFF3800  }
0xc9: {  	[tilespmem:s6], [sflag:$0x1] =	stream.indirect.gather [hbm4b:s4+s5], $0x20, s16, s5, $0xb8;
	[tilespmem:$0x1F400] =	vst v63  }
0xca: {  	_ =	swait.ge [sflag:s11], $0xC800  }
0xcb: {  	[sflag:s11] =	ssyncset.done $0x0  }
0xcc: {  	s0 =	rddreg [dreg:$0x9];
	[sflag:s11] =	ssyncadd.s32 $0xFFFF3800  }
0xcd: {  	[hbm4b:s0+s2] =	stream.linear.scatter [tilespmem:s7], [sflag:$0x4], $0xC800, $0x38;
	[tilespmem:$0x1F400] =	vst v63  }
0xce: {  	_ =	swait.ge [sflag:s12], $0xC800  }
0xcf: {  	[sflag:s12] =	ssyncset.done $0x0  }
0xd0: {  	[sflag:s12] =	ssyncadd.s32 $0xFFFF3800  }
0xd1: {  	[tilespmem:s7], [sflag:$0x2] =	stream.indirect.gather [hbm4b:s4+s5], $0x20, s17, s5, $0xb8;
	[tilespmem:$0x1F400] =	vst v63  }
0xd2: {  	_ =	swait.ge [sflag:s8], $0xC800  }
0xd3: {  	[sflag:s8] =	ssyncset.done $0x0  }
0xd4: {  	s0 =	rddreg [dreg:$0xa];
	[sflag:s8] =	ssyncadd.s32 $0xFFFF3800  }
0xd5: {  	[hbm4b:s0+s2] =	stream.linear.scatter [tilespmem:s6], [sflag:$0x3], $0xC800, $0x38;
	[tilespmem:$0x1F400] =	vst v63  }
0xd6: {  	_ =	swait.ge [sflag:s9], $0xC800  }
0xd7: {  	[sflag:s9] =	ssyncset.done $0x0  }
0xd8: {  	[sflag:s9] =	ssyncadd.s32 $0xFFFF3800  }
0xd9: {  	[tilespmem:s6], [sflag:$0x1] =	stream.indirect.gather [hbm4b:s4+s5], $0x20, s18, s5, $0xb8;
	[tilespmem:$0x1F400] =	vst v63  }
0xda: {  	_ =	swait.ge [sflag:s11], $0xC800  }
0xdb: {  	[sflag:s11] =	ssyncset.done $0x0  }
0xdc: {  	s0 =	rddreg [dreg:$0xb];
	[sflag:s11] =	ssyncadd.s32 $0xFFFF3800  }
0xdd: {  	[hbm4b:s0+s2] =	stream.linear.scatter [tilespmem:s7], [sflag:$0x4], $0xC800, $0x38;
	[tilespmem:$0x1F400] =	vst v63  }
0xde: {  	_ =	swait.ge [sflag:s12], $0xC800  }
0xdf: {  	[sflag:s12] =	ssyncset.done $0x0  }
0xe0: {  	[sflag:s12] =	ssyncadd.s32 $0xFFFF3800  }
0xe1: {  	[tilespmem:s7], [sflag:$0x2] =	stream.indirect.gather [hbm4b:s4+s5], $0x20, s19, s5, $0xb8;
	[tilespmem:$0x1F400] =	vst v63  }
0xe2: {  	_ =	swait.ge [sflag:s8], $0xC800  }
0xe3: {  	[sflag:s8] =	ssyncset.done $0x0  }
0xe4: {  	s0 =	rddreg [dreg:$0xc];
	[sflag:s8] =	ssyncadd.s32 $0xFFFF3800  }
0xe5: {  	[hbm4b:s0+s2] =	stream.linear.scatter [tilespmem:s6], [sflag:$0x3], $0xC800, $0x38;
	[tilespmem:$0x1F400] =	vst v63  }
0xe6: {  	_ =	swait.ge [sflag:s9], $0xC800  }
0xe7: {  	[sflag:s9] =	ssyncset.done $0x0  }
0xe8: {  	[sflag:s9] =	ssyncadd.s32 $0xFFFF3800  }
0xe9: {  	[tilespmem:s6], [sflag:$0x1] =	stream.indirect.gather [hbm4b:s4+s5], $0x20, s20, s5, $0xb8;
	[tilespmem:$0x1F400] =	vst v63  }
0xea: {  	_ =	swait.ge [sflag:s11], $0xC800  }
0xeb: {  	[sflag:s11] =	ssyncset.done $0x0  }
0xec: {  	s0 =	rddreg [dreg:$0xd];
	[sflag:s11] =	ssyncadd.s32 $0xFFFF3800  }
0xed: {  	[hbm4b:s0+s2] =	stream.linear.scatter [tilespmem:s7], [sflag:$0x4], $0xC800, $0x38;
	[tilespmem:$0x1F400] =	vst v63  }
0xee: {  	_ =	swait.ge [sflag:s12], $0xC800  }
0xef: {  	[sflag:s12] =	ssyncset.done $0x0  }
0xf0: {  	[sflag:s12] =	ssyncadd.s32 $0xFFFF3800  }
0xf1: {  	[tilespmem:s7], [sflag:$0x2] =	stream.indirect.gather [hbm4b:s4+s5], $0x20, s21, s5, $0xb8;
	[tilespmem:$0x1F400] =	vst v63  }
0xf2: {  	_ =	swait.ge [sflag:s8], $0xC800  }
0xf3: {  	[sflag:s8] =	ssyncset.done $0x0  }
0xf4: {  	s0 =	rddreg [dreg:$0xe];
	[sflag:s8] =	ssyncadd.s32 $0xFFFF3800  }
0xf5: {  	[hbm4b:s0+s2] =	stream.linear.scatter [tilespmem:s6], [sflag:$0x3], $0xC800, $0x38;
	[tilespmem:$0x1F400] =	vst v63  }
0xf6: {  	_ =	swait.ge [sflag:s9], $0xC800  }
0xf7: {  	[sflag:s9] =	ssyncset.done $0x0  }
0xf8: {  	[sflag:s9] =	ssyncadd.s32 $0xFFFF3800  }
0xf9: {  	[tilespmem:s6], [sflag:$0x1] =	stream.indirect.gather [hbm4b:s4+s5], $0x20, s22, s5, $0xb8;
	[tilespmem:$0x1F400] =	vst v63  }
0xfa: {  	_ =	swait.ge [sflag:s11], $0xC800  }
0xfb: {  	[sflag:s11] =	ssyncset.done $0x0  }
0xfc: {  	[sflag:s11] =	ssyncadd.s32 $0xFFFF3800  }
0xfd: {  	[hbm4b:s23+s2] =	stream.linear.scatter [tilespmem:s7], [sflag:$0x4], $0xC800, $0x38;
	[tilespmem:$0x1F400] =	vst v63  }
0xfe: {  	_ =	swait.ge [sflag:s12], $0xC800  }
0xff: {  	[sflag:s12] =	ssyncset.done $0x0  }
0x100: {  	[sflag:s12] =	ssyncadd.s32 $0xFFFF3800  }
0x101: {  	[tilespmem:s7], [sflag:$0x2] =	stream.indirect.gather [hbm4b:s4+s5], $0x20, s24, s5, $0xb8;
	[tilespmem:$0x1F400] =	vst v63  }
0x102: {  	_ =	swait.ge [sflag:s8], $0xC800  }
0x103: {  	[sflag:s8] =	ssyncset.done $0x0  }
0x104: {  	[sflag:s8] =	ssyncadd.s32 $0xFFFF3800  }
0x105: {  	[hbm4b:s25+s2] =	stream.linear.scatter [tilespmem:s6], [sflag:$0x3], $0xC800, $0x38;
	[tilespmem:$0x1F400] =	vst v63  }
0x106: {  	_ =	swait.ge [sflag:s9], $0xC800  }
0x107: {  	[sflag:s9] =	ssyncset.done $0x0  }
0x108: {  	[sflag:s9] =	ssyncadd.s32 $0xFFFF3800  }
0x109: {  	[tilespmem:s6], [sflag:$0x1] =	stream.indirect.gather [hbm4b:s4+s5], $0x20, s26, s5, $0xb8;
	[tilespmem:$0x1F400] =	vst v63  }
0x10a: {  	_ =	swait.ge [sflag:s11], $0xC800  }
0x10b: {  	[sflag:s11] =	ssyncset.done $0x0  }
0x10c: {  	[sflag:s11] =	ssyncadd.s32 $0xFFFF3800  }
0x10d: {  	[hbm4b:s28+s2] =	stream.linear.scatter [tilespmem:s7], [sflag:$0x4], $0xC800, $0x38;
	[tilespmem:$0x1F400] =	vst v63  }
0x10e: {  	_ =	swait.ge [sflag:s12], $0xC800  }
0x10f: {  	[sflag:s12] =	ssyncset.done $0x0  }
0x110: {  	[sflag:s12] =	ssyncadd.s32 $0xFFFF3800  }
0x111: {  	[tilespmem:s7], [sflag:$0x2] =	stream.indirect.gather [hbm4b:s4+s5], $0x20, s29, s5, $0xb8;
	[tilespmem:$0x1F400] =	vst v63  }
0x112: {  	_ =	swait.ge [sflag:s8], $0xC800  }
0x113: {  	[sflag:s8] =	ssyncset.done $0x0  }
0x114: {  	[sflag:s8] =	ssyncadd.s32 $0xFFFF3800  }
0x115: {  	[hbm4b:s30+s2] =	stream.linear.scatter [tilespmem:s6], [sflag:$0x3], $0xC800, $0x38;
	[tilespmem:$0x1F400] =	vst v63  }
0x116: {  	_ =	swait.ge [sflag:s11], $0xC800  }
0x117: {  	[sflag:s11] =	ssyncset.done $0x0  }
0x118: {  	p0 =	sne.s32 s1, $0x1;
	[sflag:s11] =	ssyncadd.s32 $0xFFFF3800  }
0x119: {  	[hbm4b:s31+s2] =	stream.linear.scatter [tilespmem:s7], [sflag:$0x4], $0xC800, $0x38;
	[tilespmem:$0x1F400] =	vst v63  }
.Ltmp1:
0x11a: {  	_ =	swait.ge [sflag:s9], $0xC800;
	(pc) =	sbr.rel @p0 .LBB2_1-.Ltmp1, $4  }
0x11b: {  	[sflag:s9] =	ssyncset.done $0x0  }
0x11c: {  	[sflag:s9] =	ssyncadd.s32 $0xFFFF3800  }
0x11d: {  	_ =	swait.ge [sflag:s12], $0xC800  }
0x11e: {  	s1 =	sadd.s32 $0xFFFFFFFF, s1;
	[sflag:s12] =	ssyncset.done $0x0  }
.LBB2_2:
0x11f: {  	[sflag:s12] =	ssyncadd.s32 $0xFFFF3800  }
0x120: {  	_ =	sfence.sel $0x180000  }
0x121: {  	[bflag:$0x0] =	sbarrier.arrive $0xFFFF  }
0x122: {  	_ =	strace $0x90000047  }
0x123: {  	s0 =	stileid.u32;
	[bflag:$0x2] =	sbarrier.arrive $0xFFFF  }
0x124: {  	p0 =	sne.s32 s0, $0x0;
	s0 =	rddreg [dreg:$0x2]  }
0x125: {  	s0 =	sadd.s32 @!p0 $0x100000, s0  }
0x126: {  	[sflag:s0] =	ssyncadd.tile.s32 @!p0 $0x1;
	_ =	shalt  }
.Lfunc_end2:
_tile_overlayer_lowered:
.L_overlay_start_2:
0x127: {  	(tag) =	ssettag $0x2  }
0x128: {  	s0 =	rddreg [dreg:$0x0];
	s2 =	stileid.u32  }
0x129: {  	s1 =	rddreg [dreg:$0x1];
	p0 =	sne.s32 s2, $0x0  }
0x12a: {  	s3 =	rddreg [dreg:$0x2];
	[bflag:$0x3] =	sbarrier.arrive $0xFFFF;
	s2 =	simm.s32 @!p0 $0x1C05  }
0x12b: {  	[timem:s3], [sflag:s2] =	dma.local @!p0 [hbm:s0], s1  }
0x12c: {  	s0 =	simm.s32 @!p0 $0x5  }
0x12d: {  	_ =	swait.ge @!p0 [sflag:s0], s1  }
0x12e: {  	s1 =	ssub.s32 @!p0 $0x0, s1;
	[sflag:s0] =	ssyncset.done @!p0 $0x0  }
0x12f: {  	[sflag:s0] =	ssyncadd.s32 @!p0 s1  }
0x130: {  	[bflag:$0x3] =	sbarrier.arrive $0xFFFF  }
0x131: {  	_ =	shalt  }

// kernel: sparse-core-data-format-call.1.cloned.1.call-start
scs
called_computation.1_lowered:
.L_overlay_start_0:
0x0: {  	s2 =	sld [smem:$0x3FD9]  }
0x1: {  	s3 =	sld [smem:$0x3FFE];
	_ =	sdelay $0x1  }
0x2: {  	s1 =	srdreg.scid  }
0x3: {  	s0 =	sand.u32 $0x1, s1  }
0x4: {  	s18 =	sshll.u32 s0, $0xA;
	s2 =	sadd.s32 s3, s2  }
0x5: {  	s2 =	sadd.s32 s2, s18  }
0x6: {  	[smem:$0x3FC6] =	sst s2  }
0x7: {  	_ = 	snop  }
0x8: {  	s2 =	sld [smem:$0x3FD0];
	(tm) =	ssettm $0x1  }
0x9: {  	s19 =	sld [smem:$0x3FFB];
	_ =	sdelay $0x3  }
0xa: {  	_ =	strace s19  }
0xb: {  	s3 =	sld [smem:$0x3FFC];
	_ =	sdelay $0x3  }
0xc: {  	_ =	strace s3  }
0xd: {  	s3 =	sld [smem:$0x3FFD];
	_ =	sdelay $0x3  }
0xe: {  	_ =	strace s3  }
0xf: {  	_ =	strace $0x8FFFFFFF  }
0x10: {  	s20 =	sld [smem:$0x3FDB];
	_ =	sdelay $0x1  }
0x11: {  	s4 =	simm.s32 $_scs_section_size  }
0x12: {  	s5 =	simm.s32 $_size__tile_overlayer_lowered;
	s6 =	simm.s32 $_tile_overlayer_lowered  }
0x13: {  	s23 =	simm.s32 $0x1BFF;
	s22 =	sshll.u32 s6, $0x1;
	s3 =	sadd.s32 s4, s20  }
0x14: {  	s7 =	simm.s32 $0x0;
	s21 =	sshll.u32 s5, $0x1;
	s5 =	sadd.s32 s22, s3  }
0x15: {  	[timem:s7], [sflag:s23] =	dma.local [hbm:s5], s21  }
0x16: {  	_ =	swait.ge [sflag:s23], s21  }
0x17: {  	s4 =	ssub.s32 $0x0, s21;
	[sflag:s23] =	ssyncset.done $0x0  }
0x18: {  	[sflag:s23] =	ssyncadd.s32 s4;
	_ =	sdelay $0x1  }
0x19: {  	s24 =	simm.s32 $0x1B8B  }
0x1a: {  	_ =	swait.ge [sflag:s24], $0x1  }
0x1b: {  	[sflag:s24] =	ssyncset.done $0x0  }
0x1c: {  	s26 =	simm.s32 $0x1B8E;
	s25 =	sld [smem:$0x3FFE];
	[sflag:s24] =	ssyncadd.s32 $0xFFFFFFFF  }
0x1d: {  	s27 =	simm.s32 $execute0_lowered;
	[smem:$0x3FD2] =	sst s26  }
0x1e: {  	s5 =	sshll.u32 s27, $0x1;
	_ =	strace $0x80000049;
	[dreg:$0x1] =	wrdreg $0xFFFFFFFF  }
0x1f: {  	s28 =	simm.s32 $_size_execute0_lowered;
	s3 =	sadd.s32 s3, s5;
	[dreg:$0x0] =	wrdreg $0x0  }
0x20: {  	s5 =	sshll.u32 s28, $0x1;
	[dreg:$0x2] =	wrdreg s3  }
0x21: {  	[dreg:$0x3] =	wrdreg s5  }
0x22: {  	[dreg:$0x4] =	wrdreg $0xC0  }
0x23: {  	_ =	task [dreg:s7], $0x5FFFF  }
0x24: {  	[dreg:$0x1] =	wrdreg $0xFFFFFFFF  }
0x25: {  	[dreg:$0x0] =	wrdreg $0x60  }
0x26: {  	[dreg:$0x2] =	wrdreg s25  }
0x27: {  	[dreg:$0x3] =	wrdreg s2  }
0x28: {  	[dreg:$0x4] =	wrdreg $0x9  }
0x29: {  	_ =	task.clear_ibuf [dreg:s7], $0x5FFFF;
	_ =	strace $0x90000049  }
0x2a: {  	s29 =	simm.s32 $0x9;
	_ =	strace $0x8000004B  }
0x2b: {  	_ =	swait.ge [sflag:s29], $0x1  }
0x2c: {  	[sflag:s29] =	ssyncadd.s32 $0xFFFFFFFF  }
0x2d: {  	_ =	strace $0x9000004B  }
0x2e: {  	_ =	sfence  }
0x2f: {  	s30 =	sld [smem:$0x0];
	_ =	sdelay $0x2  }
0x30: {  	s31 =	sshll.u32 s1, $0xD;
	s1 =	sshrl.u32 s1, $0x2  }
0x31: {  	s3 =	sand.u32 $0x4000, s31;
	s1 =	sadd.s32 s1, s30  }
0x32: {  	s0 =	sor.u32 s3, s0;
	s1 =	sshll.u32 s1, $0x11  }
0x33: {  	s0 =	sor.u32 s1, s0  }
0x34: {  	s0 =	sadd.s32 $0x8F2B, s0  }
0x35: {  	[sflag:s0] =	ssyncadd.remote.s32 $0x1  }
0x36: {  	_ =	sfence.sel $0xFFFF  }
0x37: {  	[dreg:$0x0] =	wrdreg $0xFFFFFFFF;
	(pc) =	sbr.abs _section_cstart, $3  }
0x38: {  	[dreg:$0x1] =	wrdreg $0xFFFFFFFF  }
0x39: {  	_ =	task.clear_ibuf [dreg:s7], $0x2FFFF;
	_ =	strace $0x9FFFFFFF  }
0x3a: {  	(tm) =	ssettm $0x7FFFFFFF  }
0x3b: {  	_ =	shalt  }
tec
execute0_lowered:
.L_overlay_start_1:
0x0: {  	(tag) =	ssettag $0x1  }
0x1: {  	s0 =	srdreg.scid  }
0x2: {  	s1 =	sshll.u32 s0, $0x4  }
0x3: {  	s4 =	rddreg [dreg:$0x0];
	s0 =	stileid.u32;
	s1 =	sand.u32 $0x10, s1  }
0x4: {  	s2 =	rddreg [dreg:$0x1];
	s7 =	simm.s32 $0x1;
	s1 =	sor.u32 s0, s1  }
0x5: {  	s8 =	simm.s32 $0x2;
	s11 =	simm.s32 $0x0;
	s3 =	sshll.u32 s1, $0x7  }
0x6: {  	s10 =	simm.s32 $0x0;
	s4 =	sadd.s32 $0xE00, s4;
	s6 =	ssub.s32 $0xC8000, s3  }
.Ltmp0:
0x7: {  	s1 =	rddreg [dreg:$0x2];
	s5 =	sand.u32 $0xF80, s6;
	(pc) =	sbr.rel .LBB1_1-.Ltmp0, $4  }
0x8: {  	_ =	strace $0x8000004A;
	s9 =	smov.u32 s3;
	p0 =	sne.s32 s5, $0x0  }
0x9: {  	s6 =	sshrl.u32 s6, $0xC;
	s5 =	simm.s32 $0x1;
	s7 =	simm.s32 @!p0 $0x0  }
0xa: {  	[sflag:s5] =	ssyncpa.u1 $0x0;
	p0 =	por $0x0, $0x0;
	s6 =	sadd.s32 s7, s6  }
0xb: {  	[sflag:s8] =	ssyncpa.u1 $0x0;
	s8 =	simm.s32 $0x640000;
	s7 =	sadd.s32 $0x1, s6  }
.LBB1_4:
0xc: {  	s14 =	sshll.u32 s11, $0x3  }
0xd: {  	s30 =	sand.u32 $0x7F, s11;
	s15 =	sand.u32 $0xFFFFFC00, s14  }
0xe: {  	s11 =	sor.u32 s30, s15  }
0xf: {  	s15 =	smulhi.u32 $0x51EB851F, s11  }
0x10: {  	s14 =	smulhi.u32 $0x51EB851F, s14  }
0x11: {  	s15 =	sshrl.u32 s15, $0x12  }
0x12: {  	s14 =	sshrl.u32 s14, $0x12;
	s15 =	smul.u32 $0xC8000, s15  }
0x13: {  	s14 =	sand.u32 $0x1F, s14  }
0x14: {  	s14 =	smul.u32 $0x19000, s14;
	s11 =	ssub.s32 s11, s15  }
0x15: {  	s15 =	sand.u32 $0x7, s11  }
0x16: {  	s14 =	sadd.s32 s2, s14;
	s11 =	sshrl.u32 s11, $0x3;
	s15 =	sshll.u32 s15, $0x12  }
0x17: {  	[tilespmem:s13+$0x0 ss:$0x81] =	vst.msk $0xffff, v0;
	s11 =	sadd.s32 s11, s14;
	s31 =	sor.u32 $0x400, s15  }
0x18: {  	[hbm4b:s11+s31] =	stream.strided.scatter [tilespmem:s12], [sflag:$0x2], $0x1000, s8, s31, $0x20;
	[tilespmem:$0x4040] =	vst v63  }
.LBB1_5:
0x19: {  	s13 =	sadd.s32 $0x1000, s9  }
0x1a: {  	p2 =	sgt.s32 s13, $0xC7FFF  }
0x1b: {  	s13 =	smov.u32 @p2 s3;
	p2 =	sne.s32 s10, s7  }
.Ltmp1:
0x1c: {  	p1 =	slt.u32 s10, $0x2;
	(pc) =	sbr.rel @!p2 .LBB1_6-.Ltmp1, $4  }
0x1d: {  	s12 =	simm.s32 @!p1 $0x2  }
0x1e: {  	s14 =	sadd.s32 $0x1, s10;
	_ =	swait.ge @!p1 [sflag:s12], $0x1000  }
0x1f: {  	s11 =	smov.u32 s9;
	p0 =	por !p0, !p0;
	[sflag:s12] =	ssyncset.done @!p1 $0x0  }
0x20: {  	s10 =	smov.u32 s14;
	s9 =	smov.u32 s13;
	[sflag:s12] =	ssyncadd.s32 @!p1 $0xFFFFF000  }
.LBB1_1:
0x21: {  	p1 =	sge.u32 s10, s6  }
0x22: {  	s12 =	sand.u32 @!p1 $0x1FFFFFF, s9  }
0x23: {  	s13 =	smulhi.u32 @!p1 $0x147AE15, s12;
	_ =	sdelay $0x1  }
0x24: {  	s13 =	sshrl.u32 @!p1 s13, $0xC  }
0x25: {  	s13 =	smul.u32 @!p1 $0xC8000, s13;
	_ =	sdelay $0x1  }
0x26: {  	s31 =	sadd.s32 $0xFFFFFFFF, s10;
	s14 =	sxor.u32 @!p1 $0xFFFFFFFF, s10;
	s12 =	ssub.s32 @!p1 s12, s13  }
0x27: {  	s15 =	simm.s32 @!p1 $0x80;
	s14 =	sshll.u32 @!p1 s14, $0xC;
	s12 =	sshll.u32 @!p1 s12, $0x4  }
0x28: {  	s13 =	sand.u32 @!p1 $0x1000, s14;
	s14 =	simm.s32 @!p1 $0x20;
	s12 =	sadd.s32 @!p1 s4, s12  }
0x29: {  	[tilespmem:s13], [sflag:$0x1] =	stream.strided.gather @!p1 [hbm4b:s12+s14], $0x1000, s15, s14, $0x38;
	[tilespmem:$0x4040] =	vst v63  }
0x2a: {  	p1 =	sge.u32 s31, s6  }
.Ltmp2:
0x2b: {  	_ = 	snop;
	(pc) =	sbr.rel @p1 .LBB1_5-.Ltmp2, $1  }
0x2c: {  	_ =	sdelay $0x3  }
0x2d: {  	s12 =	simm.s32 $0x1  }
0x2e: {  	_ =	swait.ge [sflag:s5], $0x1000;
	s12 =	simm.s32 @!p0 $0x0  }
0x2f: {  	[sflag:s5] =	ssyncset.done $0x0;
	s13 =	sshll.u32 s12, $0xC  }
0x30: {  	[sflag:s5] =	ssyncadd.s32 $0xFFFFF000;
	s16 =	sor.u32 $0x10, s13  }
0x31: {  	s12 =	smul.u32 $0x4080, s12;
	v1 =	vld [tilespmem:s16+$0x0]  }
0x32: {  	s30 =	sand.u32 $0x1, s10;
	v0 =	vld [tilespmem:s16+$0xFFFFFFF0]  }
0x33: {  	s13 =	smul.u32 $0x4080, s30;
	s12 =	sshrl.u32 s12, $0x2  }
0x34: {  	s14 =	sor.u32 $0x2000, s12  }
0x35: {  	s31 =	sshrl.u32 s13, $0x2;
	s13 =	sadd.s32 $0x0, s14  }
0x36: {  	s15 =	simm.s32 $0x4;
	s16 =	sadd.s32 $0x20, s16;
	s12 =	sor.u32 $0x2000, s31;
	[tilespmem:s13+$0x810 ss:$0x81] =	vst.msk $0xffff, v1  }
.LBB1_3:
0x37: {  	v1 =	vld [tilespmem:s16+$0x0];
	p1 =	sne.s32 s15, $0x1FC;
	[tilespmem:s13+$0x0 ss:$0x81] =	vst.msk $0xffff, v0;
	s13 =	smov.u32 s15;
	s15 =	sadd.s32 $0x4, s15  }
.Ltmp3:
0x38: {  	v0 =	vld [tilespmem:s16+$0xFFFFFFF0];
	(pc) =	sbr.rel @p1 .LBB1_3-.Ltmp3, $4  }
0x39: {  	_ = 	snop  }
0x3a: {  	s13 =	sshra.s32 s13, $0x2  }
0x3b: {  	s13 =	sadd.s32 s13, s14  }
0x3c: {  	s16 =	sadd.s32 $0x20, s16;
	[tilespmem:s13+$0x810 ss:$0x81] =	vst.msk $0xffff, v1  }
.Ltmp4:
0x3d: {  	_ = 	snop;
	(pc) =	sbr.rel .LBB1_4-.Ltmp4, $1  }
0x3e: {  	_ =	sdelay $0x3  }
.LBB1_6:
0x3f: {  	_ =	sfence.sel $0x180000  }
0x40: {  	s2 =	simm.s32 $0x1;
	[bflag:$0x0] =	sbarrier.arrive $0xFFFF  }
0x41: {  	s31 =	simm.s32 $0x2;
	[sflag:s2] =	ssyncpa.u1 $0x1  }
0x42: {  	[sflag:s31] =	ssyncpa.u1 $0x1  }
0x43: {  	p0 =	sne.s32 s0, $0x0;
	_ =	strace $0x9000004A  }
0x44: {  	s0 =	sadd.s32 @!p0 $0x100000, s1;
	[bflag:$0x2] =	sbarrier.arrive $0xFFFF  }
0x45: {  	[sflag:s0] =	ssyncadd.tile.s32 @!p0 $0x1;
	_ =	shalt  }
.Lfunc_end1:
_tile_overlayer_lowered:
.L_overlay_start_2:
0x46: {  	(tag) =	ssettag $0x2  }
0x47: {  	s0 =	rddreg [dreg:$0x0];
	s2 =	stileid.u32  }
0x48: {  	s1 =	rddreg [dreg:$0x1];
	p0 =	sne.s32 s2, $0x0  }
0x49: {  	s3 =	rddreg [dreg:$0x2];
	[bflag:$0x3] =	sbarrier.arrive $0xFFFF;
	s2 =	simm.s32 @!p0 $0x1C01  }
0x4a: {  	[timem:s3], [sflag:s2] =	dma.local @!p0 [hbm:s0], s1  }
0x4b: {  	s0 =	simm.s32 @!p0 $0x1  }
0x4c: {  	_ =	swait.ge @!p0 [sflag:s0], s1  }
0x4d: {  	s1 =	ssub.s32 @!p0 $0x0, s1;
	[sflag:s0] =	ssyncset.done @!p0 $0x0  }
0x4e: {  	[sflag:s0] =	ssyncadd.s32 @!p0 s1  }
0x4f: {  	[bflag:$0x3] =	sbarrier.arrive $0xFFFF  }
0x50: {  	_ =	shalt  }

// kernel: sparse-core-data-format-call.cloned.1.call-start
scs
called_computation_lowered:
.L_overlay_start_0:
0x0: {  	s2 =	sld [smem:$0x3FD9]  }
0x1: {  	s3 =	sld [smem:$0x3FFE];
	_ =	sdelay $0x1  }
0x2: {  	s1 =	srdreg.scid  }
0x3: {  	s0 =	sand.u32 $0x1, s1  }
0x4: {  	s18 =	sshll.u32 s0, $0xA;
	s2 =	sadd.s32 s3, s2  }
0x5: {  	s2 =	sadd.s32 s2, s18  }
0x6: {  	[smem:$0x3FC6] =	sst s2  }
0x7: {  	_ = 	snop  }
0x8: {  	s2 =	sld [smem:$0x3FD0];
	(tm) =	ssettm $0x1  }
0x9: {  	s19 =	sld [smem:$0x3FFB];
	_ =	sdelay $0x3  }
0xa: {  	_ =	strace s19  }
0xb: {  	s3 =	sld [smem:$0x3FFC];
	_ =	sdelay $0x3  }
0xc: {  	_ =	strace s3  }
0xd: {  	s3 =	sld [smem:$0x3FFD];
	_ =	sdelay $0x3  }
0xe: {  	_ =	strace s3  }
0xf: {  	_ =	strace $0x8FFFFFFF  }
0x10: {  	s20 =	sld [smem:$0x3FDB];
	_ =	sdelay $0x1  }
0x11: {  	s4 =	simm.s32 $_scs_section_size  }
0x12: {  	s5 =	simm.s32 $_size__tile_overlayer_lowered;
	s6 =	simm.s32 $_tile_overlayer_lowered  }
0x13: {  	s23 =	simm.s32 $0x1BFF;
	s22 =	sshll.u32 s6, $0x1;
	s3 =	sadd.s32 s4, s20  }
0x14: {  	s7 =	simm.s32 $0x0;
	s21 =	sshll.u32 s5, $0x1;
	s5 =	sadd.s32 s22, s3  }
0x15: {  	[timem:s7], [sflag:s23] =	dma.local [hbm:s5], s21  }
0x16: {  	_ =	swait.ge [sflag:s23], s21  }
0x17: {  	s4 =	ssub.s32 $0x0, s21;
	[sflag:s23] =	ssyncset.done $0x0  }
0x18: {  	[sflag:s23] =	ssyncadd.s32 s4;
	_ =	sdelay $0x1  }
0x19: {  	s24 =	simm.s32 $0x1B8B  }
0x1a: {  	_ =	swait.ge [sflag:s24], $0x1  }
0x1b: {  	[sflag:s24] =	ssyncset.done $0x0  }
0x1c: {  	s26 =	simm.s32 $0x1B8E;
	s25 =	sld [smem:$0x3FFE];
	[sflag:s24] =	ssyncadd.s32 $0xFFFFFFFF  }
0x1d: {  	s27 =	simm.s32 $execute0_lowered;
	[smem:$0x3FD2] =	sst s26  }
0x1e: {  	s5 =	sshll.u32 s27, $0x1;
	_ =	strace $0x8000004C;
	[dreg:$0x1] =	wrdreg $0xFFFFFFFF  }
0x1f: {  	s28 =	simm.s32 $_size_execute0_lowered;
	s3 =	sadd.s32 s3, s5;
	[dreg:$0x0] =	wrdreg $0x0  }
0x20: {  	s5 =	sshll.u32 s28, $0x1;
	[dreg:$0x2] =	wrdreg s3  }
0x21: {  	[dreg:$0x3] =	wrdreg s5  }
0x22: {  	[dreg:$0x4] =	wrdreg $0xC0  }
0x23: {  	_ =	task [dreg:s7], $0x5FFFF  }
0x24: {  	[dreg:$0x1] =	wrdreg $0xFFFFFFFF  }
0x25: {  	[dreg:$0x0] =	wrdreg $0x60  }
0x26: {  	[dreg:$0x2] =	wrdreg s25  }
0x27: {  	[dreg:$0x3] =	wrdreg s2  }
0x28: {  	[dreg:$0x4] =	wrdreg $0x9  }
0x29: {  	_ =	task.clear_ibuf [dreg:s7], $0x5FFFF;
	_ =	strace $0x9000004C  }
0x2a: {  	s29 =	simm.s32 $0x9;
	_ =	strace $0x8000004E  }
0x2b: {  	_ =	swait.ge [sflag:s29], $0x1  }
0x2c: {  	[sflag:s29] =	ssyncadd.s32 $0xFFFFFFFF  }
0x2d: {  	_ =	strace $0x9000004E  }
0x2e: {  	_ =	sfence  }
0x2f: {  	s30 =	sld [smem:$0x0];
	_ =	sdelay $0x2  }
0x30: {  	s31 =	sshll.u32 s1, $0xD;
	s1 =	sshrl.u32 s1, $0x2  }
0x31: {  	s3 =	sand.u32 $0x4000, s31;
	s1 =	sadd.s32 s1, s30  }
0x32: {  	s0 =	sor.u32 s3, s0;
	s1 =	sshll.u32 s1, $0x11  }
0x33: {  	s0 =	sor.u32 s1, s0  }
0x34: {  	s0 =	sadd.s32 $0x8F2B, s0  }
0x35: {  	[sflag:s0] =	ssyncadd.remote.s32 $0x1  }
0x36: {  	_ =	sfence.sel $0xFFFF  }
0x37: {  	[dreg:$0x0] =	wrdreg $0xFFFFFFFF;
	(pc) =	sbr.abs _section_cstart, $3  }
0x38: {  	[dreg:$0x1] =	wrdreg $0xFFFFFFFF  }
0x39: {  	_ =	task.clear_ibuf [dreg:s7], $0x2FFFF;
	_ =	strace $0x9FFFFFFF  }
0x3a: {  	(tm) =	ssettm $0x7FFFFFFF  }
0x3b: {  	_ =	shalt  }
tec
execute0_lowered:
.L_overlay_start_1:
0x0: {  	(tag) =	ssettag $0x1  }
0x1: {  	s8 =	rddreg [dreg:$0x0]  }
0x2: {  	s2 =	rddreg [dreg:$0x1];
	s1 =	stileid.u32  }
0x3: {  	s4 =	srdreg.scid;
	s0 =	rddreg [dreg:$0x2];
	_ =	strace $0x8000004D  }
0x4: {  	s9 =	simm.s32 $0x1;
	s31 =	simm.s32 $0x2;
	s16 =	simm.s32 $0x0  }
0x5: {  	s17 =	simm.s32 $0x0;
	s11 =	simm.s32 $0x0;
	s12 =	simm.s32 $0x0  }
0x6: {  	s15 =	simm.s32 $0x0;
	s3 =	sshll.u32 s1, $0x1;
	s4 =	sshll.u32 s4, $0x7  }
0x7: {  	s4 =	sand.u32 $0x80, s4;
	s5 =	ssub.s32 $0x20, s3;
	s14 =	smov.u32 s3  }
0x8: {  	s6 =	sshrl.u32 s5, $0x5;
	s5 =	sand.u32 $0x1E, s5;
	s7 =	ssub.s32 $0x4000, s4  }
0x9: {  	p0 =	sne.s32 s5, $0x0;
	s30 =	sshrl.u32 s7, $0x7;
	s7 =	sshrl.u32 s7, $0x8  }
.Ltmp0:
0xa: {  	s9 =	simm.s32 @!p0 $0x0;
	s10 =	sand.u32 $0x1, s30;
	(pc) =	sbr.rel .LBB1_1-.Ltmp0, $4  }
0xb: {  	s5 =	simm.s32 $0x1;
	s6 =	sadd.s32 s9, s6;
	s7 =	sadd.s32 s7, s10  }
0xc: {  	s13 =	smov.u32 s4;
	[sflag:s5] =	ssyncpa.u1 $0x0;
	s6 =	smul.u32 s6, s7  }
0xd: {  	p0 =	por $0x0, $0x0;
	[sflag:s31] =	ssyncpa.u1 $0x0;
	s10 =	simm.s32 $0x80000  }
0xe: {  	s7 =	sadd.s32 $0xE00, s8;
	s8 =	sadd.s32 $0x40E00, s8;
	s9 =	sadd.s32 $0x1, s6  }
.LBB1_7:
0xf: {  	p1 =	slt.u32 s15, $0x2  }
0x10: {  	s19 =	smov.u32 s17;
	p2 =	sgt.s32 @!p1 s17, $0x1E;
	s18 =	sshra.s32 @!p1 s17, $0x1F  }
0x11: {  	p3 =	sgt.s32 @!p1 s16, $0x3F80;
	s20 =	sshra.s32 @!p1 s16, $0x1F;
	p2 =	por !p2, p1  }
0x12: {  	s17 =	sand.u32 @!p1 s18, s17;
	p3 =	por !p3, p1;
	s18 =	smov.u32 s16  }
0x13: {  	s16 =	sand.u32 @!p1 s20, s16;
	s19 =	simm.s32 @p2 $0x1E;
	s18 =	simm.s32 @p3 $0x3F80  }
0x14: {  	s20 =	smov.u32 s14;
	s17 =	ssub.s32 @!p1 s19, s17;
	s16 =	ssub.s32 @!p1 s18, s16  }
0x15: {  	s18 =	sadd.s32 @!p1 $0xFFFFFFE2, s17;
	s17 =	ssub.s32 @!p1 $0x20, s17;
	s19 =	sadd.s32 @!p1 $0xFFFFC080, s16  }
0x16: {  	p2 =	sgt.s32 @!p1 s18, $0x1;
	s17 =	smul.u32 @!p1 $0x32, s17;
	p3 =	sgt.s32 @!p1 s19, $0x7F  }
0x17: {  	s16 =	ssub.s32 @!p1 $0x4000, s16;
	p2 =	por !p2, p1;
	p3 =	por !p3, p1  }
0x18: {  	s18 =	sadd.s32 $0x100, s13;
	s17 =	simm.s32 @!p2 $0x0;
	s16 =	simm.s32 @!p3 $0x0  }
0x19: {  	p2 =	sgt.s32 s18, $0x3FFF;
	s16 =	smul.u32 @!p1 s16, s17;
	s17 =	sadd.s32 $0x20, s14  }
0x1a: {  	s20 =	smov.u32 @p2 s17  }
0x1b: {  	s18 =	smov.u32 @p2 s4;
	p2 =	sgt.s32 s20, $0x1F  }
0x1c: {  	s20 =	smov.u32 @p2 s3;
	p2 =	sne.s32 s15, s9  }
.Ltmp1:
0x1d: {  	p0 =	por !p0, !p0;
	s19 =	simm.s32 @!p1 $0x2;
	(pc) =	sbr.rel @!p2 .LBB1_8-.Ltmp1, $4  }
0x1e: {  	s17 =	smov.u32 s12;
	s12 =	smov.u32 s14;
	s16 =	sand.u32 @!p1 $0x3FFFFFFE, s16  }
0x1f: {  	_ =	swait.ge @!p1 [sflag:s19], s16;
	s21 =	ssub.s32 @!p1 $0x0, s16;
	s16 =	smov.u32 s11  }
0x20: {  	s15 =	sadd.s32 $0x1, s15;
	s11 =	smov.u32 s13;
	[sflag:s19] =	ssyncset.done @!p1 $0x0  }
0x21: {  	s13 =	smov.u32 s18;
	s14 =	smov.u32 s20;
	[sflag:s19] =	ssyncadd.s32 @!p1 s21  }
.LBB1_1:
0x22: {  	p1 =	sge.u32 s15, s6  }
0x23: {  	s18 =	sxor.u32 @!p1 $0xFFFFFFFF, s15;
	s19 =	sshll.u32 @!p1 s14, $0x12  }
0x24: {  	s20 =	sshll.u32 @!p1 s13, $0x4;
	s22 =	simm.s32 @!p1 $0x40;
	s23 =	simm.s32 @!p1 $0x80  }
0x25: {  	s18 =	sshll.u32 @!p1 s18, $0xE;
	s20 =	sand.u32 @!p1 $0x3FFF0, s20;
	s21 =	sadd.s32 @!p1 s7, s19  }
0x26: {  	s19 =	sadd.s32 @!p1 s19, s8;
	s18 =	sand.u32 @!p1 $0x4000, s18;
	s21 =	sadd.s32 @!p1 s20, s21  }
0x27: {  	[tilespmem:s18], [sflag:$0x1] =	stream.strided.gather @!p1 [hbm4b:s21+s22], $0x2000, s23, s22, $0x38;
	[tilespmem:$0x10100] =	vst v63  }
0x28: {  	s31 =	sadd.s32 $0xFFFFFFFF, s15;
	s19 =	sadd.s32 @!p1 s20, s19;
	s18 =	sor.u32 @!p1 $0x2000, s18  }
0x29: {  	[tilespmem:s18], [sflag:$0x1] =	stream.strided.gather @!p1 [hbm4b:s19+s22], $0x2000, s23, s22, $0x38;
	[tilespmem:$0x10100] =	vst v63  }
0x2a: {  	p1 =	sge.u32 s31, s6  }
.Ltmp2:
0x2b: {  	_ = 	snop;
	(pc) =	sbr.rel @p1 .LBB1_7-.Ltmp2, $1  }
0x2c: {  	_ =	sdelay $0x3  }
0x2d: {  	s18 =	simm.s32 $0x1;
	s20 =	sand.u32 $0x1, s15  }
0x2e: {  	_ =	swait.ge [sflag:s5], $0x4000;
	s18 =	simm.s32 @!p0 $0x0;
	s20 =	smul.u32 $0x10200, s20  }
0x2f: {  	p2 =	por $0x1, $0x1;
	[sflag:s5] =	ssyncset.done $0x0;
	s19 =	smul.u32 $0x10200, s18  }
0x30: {  	s21 =	sshll.u32 s18, $0x10;
	[sflag:s5] =	ssyncadd.s32 $0xFFFFC000;
	s30 =	sshrl.u32 s20, $0x2  }
0x31: {  	s31 =	sshrl.u32 s21, $0x2;
	s21 =	simm.s32 $0x0;
	s19 =	sshrl.u32 s19, $0x2  }
0x32: {  	s18 =	sor.u32 $0x8000, s30;
	s20 =	sadd.s32 $0x20, s31;
	s19 =	sor.u32 $0x8000, s19  }
.LBB1_3:
0x33: {  	s22 =	sshll.u32 s21, $0xD  }
0x34: {  	s22 =	sand.u32 $0x3FFFE000, s22  }
0x35: {  	s24 =	sadd.s32 s22, s20  }
0x36: {  	s31 =	smul.u32 $0x204, s21;
	v3 =	vld [tilespmem:s24+$0x10]  }
0x37: {  	v1 =	vld [tilespmem:s24+$0xFFFFFFF0]  }
0x38: {  	s21 =	sshra.s32 s31, $0x2;
	v0 =	vld [tilespmem:s24+$0x0]  }
0x39: {  	s21 =	sadd.s32 s21, s19;
	v2 =	vld [tilespmem:s24+$0xFFFFFFE0]  }
0x3a: {  	s22 =	sadd.s32 $0x0, s21  }
0x3b: {  	p1 =	por p2, p2;
	s23 =	simm.s32 $0x4;
	s24 =	sadd.s32 $0x40, s24;
	[tilespmem:s22+$0x3060 ss:$0x102] =	vst.msk $0xffff, v3  }
.LBB1_4:
0x3c: {  	v3 =	vld [tilespmem:s24+$0x10];
	p2 =	sne.s32 s23, $0x1FC;
	[tilespmem:s22+$0x1020 ss:$0x102] =	vst.msk $0xffff, v1;
	s25 =	smov.u32 s23;
	s23 =	sadd.s32 $0x4, s23  }
.Ltmp3:
0x3d: {  	v1 =	vld [tilespmem:s24+$0xFFFFFFF0];
	[tilespmem:s22+$0x2040 ss:$0x102] =	vst.msk $0xffff, v0;
	(pc) =	sbr.rel @p2 .LBB1_4-.Ltmp3, $4  }
0x3e: {  	v0 =	vld [tilespmem:s24+$0x0];
	[tilespmem:s22+$0x0 ss:$0x102] =	vst.msk $0xffff, v2  }
0x3f: {  	s22 =	sshra.s32 s25, $0x2;
	v2 =	vld [tilespmem:s24+$0xFFFFFFE0]  }
0x40: {  	s22 =	sadd.s32 s22, s21  }
0x41: {  	s24 =	sadd.s32 $0x40, s24;
	[tilespmem:s22+$0x3060 ss:$0x102] =	vst.msk $0xffff, v3  }
.Ltmp4:
0x42: {  	(pc) =	sbr.rel @p1 .LBB1_3-.Ltmp4, $4  }
0x43: {  	_ = 	snop  }
0x44: {  	[tilespmem:s22+$0x1020 ss:$0x102] =	vst.msk $0xffff, v1  }
0x45: {  	[tilespmem:s22+$0x2040 ss:$0x102] =	vst.msk $0xffff, v0  }
0x46: {  	s21 =	simm.s32 $0x1;
	p2 =	por $0x0, $0x0;
	[tilespmem:s22+$0x0 ss:$0x102] =	vst.msk $0xffff, v2  }
0x47: {  	s19 =	sand.u32 $0x78, s11;
	p1 =	sgt.s32 s12, $0x1E;
	s20 =	smov.u32 s12  }
0x48: {  	s21 =	sshra.s32 s12, $0x1F;
	s22 =	sshll.u32 s12, $0xE;
	s23 =	sshll.u32 s11, $0x3  }
0x49: {  	s30 =	sshra.s32 s11, $0x1F;
	s25 =	sshll.u32 s12, $0x7;
	s20 =	simm.s32 @!p1 $0x1E  }
0x4a: {  	s21 =	sand.u32 s21, s12;
	s22 =	sand.u32 $0x60000, s22;
	p1 =	sgt.s32 s11, $0x3F80  }
0x4b: {  	s25 =	sand.u32 $0x380, s25;
	s20 =	ssub.s32 s20, s21;
	s21 =	smov.u32 s11  }
0x4c: {  	s22 =	sadd.s32 s22, s23;
	s24 =	sadd.s32 $0xFFFFFFE2, s20;
	s21 =	simm.s32 @!p1 $0x3F80  }
0x4d: {  	s20 =	ssub.s32 $0x20, s20;
	p1 =	sgt.s32 s24, $0x1;
	s24 =	sand.u32 s30, s11  }
0x4e: {  	s23 =	sand.u32 $0x3C00, s23;
	s20 =	smul.u32 $0x32, s20;
	s21 =	ssub.s32 s21, s24  }
0x4f: {  	s19 =	sor.u32 s25, s19;
	s22 =	sand.u32 $0x7C000, s22;
	s24 =	sadd.s32 $0xFFFFC080, s21  }
0x50: {  	s20 =	simm.s32 @p1 $0x0;
	s21 =	ssub.s32 $0x4000, s21;
	p1 =	sgt.s32 s24, $0x7F  }
.Ltmp5:
0x51: {  	s19 =	sor.u32 s23, s19;
	s21 =	simm.s32 @p1 $0x0;
	(pc) =	sbr.rel .LBB1_7-.Ltmp5, $4  }
0x52: {  	s31 =	sand.u32 $0x7, s11;
	s19 =	sor.u32 s22, s19;
	s20 =	smul.u32 s21, s20  }
0x53: {  	s19 =	sshrl.u32 s19, $0x3;
	s21 =	sshll.u32 s31, $0x12  }
0x54: {  	s19 =	sadd.s32 s2, s19;
	s21 =	sor.u32 $0x100, s21;
	s20 =	sand.u32 $0x3FFFFFFE, s20  }
0x55: {  	[hbm4b:s19+s21] =	stream.strided.scatter [tilespmem:s18], [sflag:$0x2], s20, s10, s21, $0x20;
	[tilespmem:$0x10100] =	vst v63  }
.LBB1_8:
0x56: {  	_ =	sfence.sel $0x180000  }
0x57: {  	s2 =	simm.s32 $0x1;
	[bflag:$0x0] =	sbarrier.arrive $0xFFFF  }
0x58: {  	s31 =	simm.s32 $0x2;
	[sflag:s2] =	ssyncpa.u1 $0x1  }
0x59: {  	[sflag:s31] =	ssyncpa.u1 $0x1  }
0x5a: {  	p0 =	sne.s32 s1, $0x0;
	_ =	strace $0x9000004D  }
0x5b: {  	s0 =	sadd.s32 @!p0 $0x100000, s0;
	[bflag:$0x2] =	sbarrier.arrive $0xFFFF  }
0x5c: {  	[sflag:s0] =	ssyncadd.tile.s32 @!p0 $0x1;
	_ =	shalt  }
.Lfunc_end1:
_tile_overlayer_lowered:
.L_overlay_start_2:
0x5d: {  	(tag) =	ssettag $0x2  }
0x5e: {  	s0 =	rddreg [dreg:$0x0];
	s2 =	stileid.u32  }
0x5f: {  	s1 =	rddreg [dreg:$0x1];
	p0 =	sne.s32 s2, $0x0  }
0x60: {  	s3 =	rddreg [dreg:$0x2];
	[bflag:$0x3] =	sbarrier.arrive $0xFFFF;
	s2 =	simm.s32 @!p0 $0x1C01  }
0x61: {  	[timem:s3], [sflag:s2] =	dma.local @!p0 [hbm:s0], s1  }
0x62: {  	s0 =	simm.s32 @!p0 $0x1  }
0x63: {  	_ =	swait.ge @!p0 [sflag:s0], s1  }
0x64: {  	s1 =	ssub.s32 @!p0 $0x0, s1;
	[sflag:s0] =	ssyncset.done @!p0 $0x0  }
0x65: {  	[sflag:s0] =	ssyncadd.s32 @!p0 s1  }
0x66: {  	[bflag:$0x3] =	sbarrier.arrive $0xFFFF  }
0x67: {  	_ =	shalt  }

</sc_bundles>
